<compile_context>
chip_gen: v7x
topology: tpu7x:2x2x1
jax: 0.10.2.dev20260603
libtpu: 0.0.44.dev20260713+nightly
codegen_flags: <defaults>
</compile_context>

<pallas_src>
import functools

import jax
import jax.numpy as jnp
from jax import lax
from jax.experimental import pallas as pl
from jax.experimental.pallas import tpu as pltpu
from jax.experimental.pallas import tpu_sc as plsc

H = 1024
E = 8
TOPK = 2
EPS = 1e-06
N = 2048
A = N * TOPK
TM = 128
T = 40
P = T * TM
NW = 32
GPW = P // NW
GC = GPW // 4
CPW = A // NW
CC = CPW // 4


def _router_body(x_ref, wg_ref, bg_ref, i12_ref, w12_ref, aux_ref):
    n = x_ref.shape[0]
    logits = lax.dot_general(
        x_ref[...], wg_ref[...], (((1,), (1,)), ((), ())),
        precision=lax.Precision.DEFAULT,
        preferred_element_type=jnp.float32) + bg_ref[...][None, :]
    m = jnp.max(logits, axis=1, keepdims=True)
    ex = jnp.exp(logits - m)
    probs = ex / jnp.sum(ex, axis=1, keepdims=True)
    iota = lax.broadcasted_iota(jnp.int32, (n, E), 1)
    p1 = jnp.max(probs, axis=1, keepdims=True)
    i1 = jnp.min(jnp.where(probs == p1, iota, E), axis=1, keepdims=True)
    masked = jnp.where(iota == i1, -jnp.inf, probs)
    p2 = jnp.max(masked, axis=1, keepdims=True)
    i2 = jnp.min(jnp.where(masked == p2, iota, E), axis=1, keepdims=True)
    denom = p1 + p2 + EPS
    i12_ref[...] = jnp.concatenate([i1, i2], axis=1)
    w12_ref[...] = jnp.concatenate([p1 / denom, p2 / denom], axis=1)
    mask = ((iota == i1) | (iota == i2)).astype(jnp.float32)
    usage = jnp.mean(mask, axis=0)
    gates = jnp.mean(probs, axis=0)
    aux_ref[0, 0] = jnp.sum(usage * gates) * E


def _mm_body(eot_ref, nact_ref, xg_ref, we_ref, be_ref, pwt_ref, buf_ref):
    t = pl.program_id(0)

    @pl.when(t < nact_ref[0])
    def _():
        y = lax.dot_general(
            xg_ref[...].astype(jnp.bfloat16), we_ref[0].astype(jnp.bfloat16),
            (((1,), (1,)), ((), ())),
            preferred_element_type=jnp.float32) + be_ref[0]
        buf_ref[...] = pwt_ref[...] * y


def _sc_gather_body(x_hbm, ptok_hbm, out_hbm, idx_v, b0_v, b1_v,
                    sg0, sg1, ss0, ss1):
    wid = lax.axis_index("s") * 2 + lax.axis_index("c")
    base = wid * GPW
    pltpu.sync_copy(ptok_hbm.at[pl.ds(base, GPW)], idx_v)
    g0 = pltpu.async_copy(x_hbm.at[idx_v.at[pl.ds(0, GC)]], b0_v, sg0)
    g1 = pltpu.async_copy(x_hbm.at[idx_v.at[pl.ds(GC, GC)]], b1_v, sg1)
    g0.wait()
    s0 = pltpu.async_copy(b0_v, out_hbm.at[pl.ds(base, GC)], ss0)
    g1.wait()
    s1 = pltpu.async_copy(b1_v, out_hbm.at[pl.ds(base + GC, GC)], ss1)
    s0.wait()
    g2 = pltpu.async_copy(x_hbm.at[idx_v.at[pl.ds(2 * GC, GC)]], b0_v, sg0)
    s1.wait()
    g3 = pltpu.async_copy(x_hbm.at[idx_v.at[pl.ds(3 * GC, GC)]], b1_v, sg1)
    g2.wait()
    s2 = pltpu.async_copy(b0_v, out_hbm.at[pl.ds(base + 2 * GC, GC)], ss0)
    g3.wait()
    s3 = pltpu.async_copy(b1_v, out_hbm.at[pl.ds(base + 3 * GC, GC)], ss1)
    s2.wait()
    s3.wait()


def _sc_combine_body(buf_hbm, pos_hbm, out_hbm, idx_v, b0_v, b1_v,
                     sg0, sg1, ss0, ss1):
    wid = lax.axis_index("s") * 2 + lax.axis_index("c")
    base = wid * CPW
    pltpu.sync_copy(pos_hbm.at[pl.ds(base, CPW)], idx_v)
    g0 = pltpu.async_copy(buf_hbm.at[idx_v.at[pl.ds(0, CC)]], b0_v, sg0)
    g1 = pltpu.async_copy(buf_hbm.at[idx_v.at[pl.ds(CC, CC)]], b1_v, sg1)
    g0.wait()
    s0 = pltpu.async_copy(b0_v, out_hbm.at[pl.ds(base, CC)], ss0)
    g1.wait()
    s1 = pltpu.async_copy(b1_v, out_hbm.at[pl.ds(base + CC, CC)], ss1)
    s0.wait()
    g2 = pltpu.async_copy(buf_hbm.at[idx_v.at[pl.ds(2 * CC, CC)]], b0_v, sg0)
    s1.wait()
    g3 = pltpu.async_copy(buf_hbm.at[idx_v.at[pl.ds(3 * CC, CC)]], b1_v, sg1)
    g2.wait()
    s2 = pltpu.async_copy(b0_v, out_hbm.at[pl.ds(base + 2 * CC, CC)], ss0)
    g3.wait()
    s3 = pltpu.async_copy(b1_v, out_hbm.at[pl.ds(base + 3 * CC, CC)], ss1)
    s2.wait()
    s3.wait()


def _add_body(g_ref, out_ref):
    out_ref[...] = g_ref[:, 0] + g_ref[:, 1]


@jax.jit
def kernel(x, Wg, bg, We, be):
    b, s, h = x.shape
    x_flat = x.reshape(-1, h)

    i12, w12, aux = pl.pallas_call(
        _router_body,
        in_specs=[
            pl.BlockSpec((N, h), lambda: (0, 0)),
            pl.BlockSpec((E, h), lambda: (0, 0)),
            pl.BlockSpec((E,), lambda: (0,)),
        ],
        out_specs=[
            pl.BlockSpec((N, TOPK), lambda: (0, 0)),
            pl.BlockSpec((N, TOPK), lambda: (0, 0)),
            pl.BlockSpec(memory_space=pltpu.SMEM),
        ],
        out_shape=[
            jax.ShapeDtypeStruct((N, TOPK), jnp.int32),
            jax.ShapeDtypeStruct((N, TOPK), jnp.float32),
            jax.ShapeDtypeStruct((1, 1), jnp.float32),
        ],
    )(x_flat, Wg, bg)

    flat_e = i12.reshape(A)
    oh = (flat_e[:, None] == jnp.arange(E)[None, :]).astype(jnp.int32)
    cum = jnp.cumsum(oh, axis=0)
    rank = jnp.take_along_axis(cum, flat_e[:, None], 1)[:, 0] - 1
    counts = cum[-1]
    tiles_pe = (counts + TM - 1) // TM
    cum_tiles = jnp.cumsum(tiles_pe)
    tile_off = cum_tiles - tiles_pe
    pos = tile_off[flat_e] * TM + rank
    ptok = jnp.zeros((P,), jnp.int32).at[pos].set(jnp.arange(A) // TOPK)
    pwt = jnp.zeros((P, 1), jnp.float32).at[pos, 0].set(w12.reshape(A))
    eot = jnp.minimum(
        jnp.sum(jnp.arange(T)[:, None] >= cum_tiles[None, :], axis=1),
        E - 1).astype(jnp.int32)
    nact = cum_tiles[-1:].astype(jnp.int32)

    mesh = plsc.VectorSubcoreMesh(core_axis_name="c", subcore_axis_name="s")
    xg = pl.kernel(
        _sc_gather_body,
        out_type=jax.ShapeDtypeStruct((P, h), jnp.float32),
        mesh=mesh,
        scratch_types=[
            pltpu.VMEM((GPW,), jnp.int32),
            pltpu.VMEM((GC, h), jnp.float32),
            pltpu.VMEM((GC, h), jnp.float32),
            pltpu.SemaphoreType.DMA,
            pltpu.SemaphoreType.DMA,
            pltpu.SemaphoreType.DMA,
            pltpu.SemaphoreType.DMA,
        ],
    )(x_flat, ptok)

    buf = pl.pallas_call(
        _mm_body,
        grid_spec=pltpu.PrefetchScalarGridSpec(
            num_scalar_prefetch=2,
            grid=(T,),
            in_specs=[
                pl.BlockSpec((TM, h), lambda t, eot, nact: (t, 0)),
                pl.BlockSpec((1, h, h), lambda t, eot, nact: (eot[t], 0, 0)),
                pl.BlockSpec((1, 1, h), lambda t, eot, nact: (eot[t], 0, 0)),
                pl.BlockSpec((TM, 1), lambda t, eot, nact: (t, 0)),
            ],
            out_specs=pl.BlockSpec((TM, h), lambda t, eot, nact: (t, 0)),
        ),
        out_shape=jax.ShapeDtypeStruct((P, h), jnp.float32),
    )(eot, nact, xg, We, be.reshape(E, 1, h), pwt)

    garr = pl.kernel(
        _sc_combine_body,
        out_type=jax.ShapeDtypeStruct((A, h), jnp.float32),
        mesh=mesh,
        scratch_types=[
            pltpu.VMEM((CPW,), jnp.int32),
            pltpu.VMEM((CC, h), jnp.float32),
            pltpu.VMEM((CC, h), jnp.float32),
            pltpu.SemaphoreType.DMA,
            pltpu.SemaphoreType.DMA,
            pltpu.SemaphoreType.DMA,
            pltpu.SemaphoreType.DMA,
        ],
    )(buf, pos)

    out = pl.pallas_call(
        _add_body,
        grid=(8,),
        in_specs=[
            pl.BlockSpec((N // 8, TOPK, h), lambda i: (i, 0, 0)),
        ],
        out_specs=pl.BlockSpec((N // 8, h), lambda i: (i, 0)),
        out_shape=jax.ShapeDtypeStruct((N, h), jnp.float32),
    )(garr.reshape(N, TOPK, h))

    return out.reshape(b, s, h), aux[0, 0]

# --- scband reference (transcript-rebuilt; emitter-appended) ---
"""Pipeline reference for scband-sparse-mo-e-83399674953937 (READ-ONLY COPY).

The authoritative reference and input builder live on the scoring server;
editing this copy changes nothing except your own understanding.
"""

import jax, jax.numpy as jnp
import numpy as np

H = 1024
E = 8
TOPK = 2
EPS = 1e-06
B, S = 1, 2048


def setup_inputs(seed: int = 0) -> dict:
    key = jax.random.key(seed)
    ks = jax.random.split(key, 5)
    x = jax.random.normal(ks[0], (B, S, H), dtype=jnp.float32)
    # router gate: nn.Linear(H, E)
    Wg = jax.random.normal(ks[1], (E, H), dtype=jnp.float32) * 0.02
    bg = jnp.zeros((E,), dtype=jnp.float32)
    # experts: E x nn.Linear(H, H), stacked as torch Linear weights [E, out, in]
    We = jax.random.normal(ks[2], (E, H, H), dtype=jnp.float32) * 0.02
    be = jnp.zeros((E, H), dtype=jnp.float32)
    return {"x": x, "Wg": Wg, "bg": bg, "We": We, "be": be}


def reference(x, Wg, bg, We, be):
    b, s, h = x.shape
    x_flat = x.reshape(-1, h)  # [N, H]
    n = x_flat.shape[0]

    # --- MoERouter ---
    router_logits = x_flat @ Wg.T + bg  # [N, E]
    router_probs = jax.nn.softmax(router_logits, axis=-1)
    top_k_probs, top_k_indices = jax.lax.top_k(router_probs, TOPK)  # [N, K]
    top_k_weights = top_k_probs / (jnp.sum(top_k_probs, axis=-1, keepdims=True) + EPS)
    expert_mask = jnp.sum(jax.nn.one_hot(top_k_indices, E, dtype=jnp.float32), axis=1)  # [N, E]

    # --- SparseMoE forward ---
    # torch impl computes every expert on every token, then masks by the
    # selected expert index. sum_idx mask_idx * expert_idx_out == gather of the
    # selected expert output, which is the identical math, vectorized.
    expert_outs = jnp.einsum('nh,edh->ned', x_flat, We) + be  # [N, E, H]

    moe_output = jnp.zeros_like(x_flat)
    for i in range(TOPK):
        expert_idx = top_k_indices[:, i]  # [N]
        weight = top_k_weights[:, i][:, None]  # [N, 1]
        selected_input = jnp.take_along_axis(
            expert_outs, expert_idx[:, None, None], axis=1
        )[:, 0, :]  # [N, H]
        moe_output = moe_output + weight * selected_input
    moe_output = moe_output.reshape(b, s, h)

    # --- load balancing loss ---
    expert_gates = jax.nn.softmax(router_logits, axis=-1)
    expert_usage = jnp.mean(expert_mask, axis=0)  # [E]
    gate_usage = jnp.mean(expert_gates, axis=0)  # [E]
    aux_loss = jnp.dot(expert_usage, gate_usage) * E

    return moe_output, aux_loss

if __name__ == "__main__":
    import jax
    _d = setup_inputs()
    print(jax.jit(kernel)(*tuple(_d.values())))

</pallas_src>

<mosaic_0001>
#map = affine_map<(d0, d1) -> (0, 0)>
#map1 = affine_map<(d0, d1) -> (0)>
module attributes {stable_mosaic.version = 14 : i64} {
  func.func @_sc_gather_body(%arg0: i32, %arg1: i32, %arg2: memref<2048x1024xf32, #tpu.memory_space<hbm>>, %arg3: memref<5120xi32, #tpu.memory_space<hbm>>, %arg4: memref<5120x1024xf32, #tpu.memory_space<hbm>>, %arg5: memref<160xi32, #tpu.memory_space<vmem>>, %arg6: memref<40x1024xf32, #tpu.memory_space<vmem>>, %arg7: memref<40x1024xf32, #tpu.memory_space<vmem>>, %arg8: memref<!tpu.dma_semaphore, #tpu.memory_space<semaphore_mem>>, %arg9: memref<!tpu.dma_semaphore, #tpu.memory_space<semaphore_mem>>, %arg10: memref<!tpu.dma_semaphore, #tpu.memory_space<semaphore_mem>>, %arg11: memref<!tpu.dma_semaphore, #tpu.memory_space<semaphore_mem>>) attributes {dimension_semantics = [#tpu.dimension_semantics<core_parallel>, #tpu.dimension_semantics<subcore_parallel>], iteration_bounds = array<i64: 2, 16>, scalar_prefetch = 0 : i64, scratch_operands = 7 : i64, tpu.core_type = #tpu.core_type<sc_vector_subcore>, window_params = [{transform_indices = #map}, {transform_indices = #map1}, {transform_indices = #map}]} {
    %mul3A = arith.constant 2 : i32
    %mul3A_0 = arith.muli %arg1, %mul3A : i32
    %add3A = arith.addi %mul3A_0, %arg0 : i32
    %mul3A_1 = arith.constant 160 : i32
    %mul3A_2 = arith.muli %add3A, %mul3A_1 : i32
    "tpu.region"() ({
      %run_scoped3A = tpu.sem_alloc : memref<!tpu.dma_semaphore, #tpu.memory_space<semaphore_mem>>
      %dma_start3A_79 = tpu.memref_slice %arg3[%mul3A_2] : memref<5120xi32, #tpu.memory_space<hbm>> -> memref<160xi32, #tpu.memory_space<hbm>>
      %dma_start3A_80 = tpu.memref_slice %arg3[%mul3A_2] : memref<5120xi32, #tpu.memory_space<hbm>> -> memref<160xi32, #tpu.memory_space<hbm>>
      tpu.enqueue_dma source(%dma_start3A_80 : memref<160xi32, #tpu.memory_space<hbm>>) target(%arg5 : memref<160xi32, #tpu.memory_space<vmem>>) target_semaphore(%run_scoped3A : memref<!tpu.dma_semaphore, #tpu.memory_space<semaphore_mem>>)
      %dma_wait3A_81 = tpu.memref_slice %arg3[%mul3A_2] : memref<5120xi32, #tpu.memory_space<hbm>> -> memref<160xi32, #tpu.memory_space<hbm>>
      %dma_wait3A_82 = tpu.memref_slice %arg3[%mul3A_2] : memref<5120xi32, #tpu.memory_space<hbm>> -> memref<160xi32, #tpu.memory_space<hbm>>
      tpu.wait_dma2 semaphore(%run_scoped3A : memref<!tpu.dma_semaphore, #tpu.memory_space<semaphore_mem>>) src(%dma_wait3A_82 : memref<160xi32, #tpu.memory_space<hbm>>) dst(%arg5 : memref<160xi32, #tpu.memory_space<vmem>>)
      tpu.yield
    }) : () -> ()
    %dma_start3A = arith.constant 0 : i32
    %dma_start3A_3 = tpu.memref_slice %arg5[%dma_start3A] : memref<160xi32, #tpu.memory_space<vmem>> -> memref<40xi32, #tpu.memory_space<vmem>>
    %dma_start3A_4 = arith.constant 0 : i32
    %dma_start3A_5 = arith.constant 0 : i32
    %dma_start3A_6 = tpu.memref_slice %arg2[%dma_start3A_4, %dma_start3A_5] : memref<2048x1024xf32, #tpu.memory_space<hbm>> -> memref<2048x1024xf32, #tpu.memory_space<hbm>>
    tpu.enqueue_indirect_dma source(%dma_start3A_6 : memref<2048x1024xf32, #tpu.memory_space<hbm>>) target(%arg6 : memref<40x1024xf32, #tpu.memory_space<vmem>>) offsets(%dma_start3A_3 : memref<40xi32, #tpu.memory_space<vmem>>) semaphore(%arg8 : memref<!tpu.dma_semaphore, #tpu.memory_space<semaphore_mem>>)
    %dma_start3A_7 = arith.constant 40 : i32
    %dma_start3A_8 = tpu.memref_slice %arg5[%dma_start3A_7] : memref<160xi32, #tpu.memory_space<vmem>> -> memref<40xi32, #tpu.memory_space<vmem>>
    %dma_start3A_9 = arith.constant 0 : i32
    %dma_start3A_10 = arith.constant 0 : i32
    %dma_start3A_11 = tpu.memref_slice %arg2[%dma_start3A_9, %dma_start3A_10] : memref<2048x1024xf32, #tpu.memory_space<hbm>> -> memref<2048x1024xf32, #tpu.memory_space<hbm>>
    tpu.enqueue_indirect_dma source(%dma_start3A_11 : memref<2048x1024xf32, #tpu.memory_space<hbm>>) target(%arg7 : memref<40x1024xf32, #tpu.memory_space<vmem>>) offsets(%dma_start3A_8 : memref<40xi32, #tpu.memory_space<vmem>>) semaphore(%arg9 : memref<!tpu.dma_semaphore, #tpu.memory_space<semaphore_mem>>)
    %dma_wait3A = arith.constant 0 : i32
    %dma_wait3A_12 = tpu.memref_slice %arg5[%dma_wait3A] : memref<160xi32, #tpu.memory_space<vmem>> -> memref<40xi32, #tpu.memory_space<vmem>>
    %dma_wait3A_13 = arith.constant 0 : i32
    %dma_wait3A_14 = arith.constant 0 : i32
    %dma_wait3A_15 = tpu.memref_slice %arg2[%dma_wait3A_13, %dma_wait3A_14] : memref<2048x1024xf32, #tpu.memory_space<hbm>> -> memref<2048x1024xf32, #tpu.memory_space<hbm>>
    tpu.wait_indirect_dma semaphore(%arg8 : memref<!tpu.dma_semaphore, #tpu.memory_space<semaphore_mem>>) src(%dma_wait3A_15 : memref<2048x1024xf32, #tpu.memory_space<hbm>>) dst(%arg6 : memref<40x1024xf32, #tpu.memory_space<vmem>>)
    %dma_start3A_16 = arith.constant 0 : i32
    %dma_start3A_17 = tpu.memref_slice %arg4[%mul3A_2, %dma_start3A_16] : memref<5120x1024xf32, #tpu.memory_space<hbm>> -> memref<40x1024xf32, #tpu.memory_space<hbm>>
    %dma_start3A_18 = arith.constant 0 : i32
    %dma_start3A_19 = tpu.memref_slice %arg4[%mul3A_2, %dma_start3A_18] : memref<5120x1024xf32, #tpu.memory_space<hbm>> -> memref<40x1024xf32, #tpu.memory_space<hbm>>
    tpu.enqueue_dma source(%arg6 : memref<40x1024xf32, #tpu.memory_space<vmem>>) target(%dma_start3A_19 : memref<40x1024xf32, #tpu.memory_space<hbm>>) target_semaphore(%arg10 : memref<!tpu.dma_semaphore, #tpu.memory_space<semaphore_mem>>)
    %dma_wait3A_20 = arith.constant 40 : i32
    %dma_wait3A_21 = tpu.memref_slice %arg5[%dma_wait3A_20] : memref<160xi32, #tpu.memory_space<vmem>> -> memref<40xi32, #tpu.memory_space<vmem>>
    %dma_wait3A_22 = arith.constant 0 : i32
    %dma_wait3A_23 = arith.constant 0 : i32
    %dma_wait3A_24 = tpu.memref_slice %arg2[%dma_wait3A_22, %dma_wait3A_23] : memref<2048x1024xf32, #tpu.memory_space<hbm>> -> memref<2048x1024xf32, #tpu.memory_space<hbm>>
    tpu.wait_indirect_dma semaphore(%arg9 : memref<!tpu.dma_semaphore, #tpu.memory_space<semaphore_mem>>) src(%dma_wait3A_24 : memref<2048x1024xf32, #tpu.memory_space<hbm>>) dst(%arg7 : memref<40x1024xf32, #tpu.memory_space<vmem>>)
    %add3A_25 = arith.constant 40 : i32
    %add3A_26 = arith.addi %mul3A_2, %add3A_25 : i32
    %dma_start3A_27 = arith.constant 0 : i32
    %dma_start3A_28 = tpu.memref_slice %arg4[%add3A_26, %dma_start3A_27] : memref<5120x1024xf32, #tpu.memory_space<hbm>> -> memref<40x1024xf32, #tpu.memory_space<hbm>>
    %dma_start3A_29 = arith.constant 0 : i32
    %dma_start3A_30 = tpu.memref_slice %arg4[%add3A_26, %dma_start3A_29] : memref<5120x1024xf32, #tpu.memory_space<hbm>> -> memref<40x1024xf32, #tpu.memory_space<hbm>>
    tpu.enqueue_dma source(%arg7 : memref<40x1024xf32, #tpu.memory_space<vmem>>) target(%dma_start3A_30 : memref<40x1024xf32, #tpu.memory_space<hbm>>) target_semaphore(%arg11 : memref<!tpu.dma_semaphore, #tpu.memory_space<semaphore_mem>>)
    %dma_wait3A_31 = arith.constant 0 : i32
    %dma_wait3A_32 = tpu.memref_slice %arg4[%mul3A_2, %dma_wait3A_31] : memref<5120x1024xf32, #tpu.memory_space<hbm>> -> memref<40x1024xf32, #tpu.memory_space<hbm>>
    %dma_wait3A_33 = arith.constant 0 : i32
    %dma_wait3A_34 = tpu.memref_slice %arg4[%mul3A_2, %dma_wait3A_33] : memref<5120x1024xf32, #tpu.memory_space<hbm>> -> memref<40x1024xf32, #tpu.memory_space<hbm>>
    tpu.wait_dma2 semaphore(%arg10 : memref<!tpu.dma_semaphore, #tpu.memory_space<semaphore_mem>>) src(%arg6 : memref<40x1024xf32, #tpu.memory_space<vmem>>) dst(%dma_wait3A_34 : memref<40x1024xf32, #tpu.memory_space<hbm>>)
    %dma_start3A_35 = arith.constant 80 : i32
    %dma_start3A_36 = tpu.memref_slice %arg5[%dma_start3A_35] : memref<160xi32, #tpu.memory_space<vmem>> -> memref<40xi32, #tpu.memory_space<vmem>>
    %dma_start3A_37 = arith.constant 0 : i32
    %dma_start3A_38 = arith.constant 0 : i32
    %dma_start3A_39 = tpu.memref_slice %arg2[%dma_start3A_37, %dma_start3A_38] : memref<2048x1024xf32, #tpu.memory_space<hbm>> -> memref<2048x1024xf32, #tpu.memory_space<hbm>>
    tpu.enqueue_indirect_dma source(%dma_start3A_39 : memref<2048x1024xf32, #tpu.memory_space<hbm>>) target(%arg6 : memref<40x1024xf32, #tpu.memory_space<vmem>>) offsets(%dma_start3A_36 : memref<40xi32, #tpu.memory_space<vmem>>) semaphore(%arg8 : memref<!tpu.dma_semaphore, #tpu.memory_space<semaphore_mem>>)
    %dma_wait3A_40 = arith.constant 0 : i32
    %dma_wait3A_41 = tpu.memref_slice %arg4[%add3A_26, %dma_wait3A_40] : memref<5120x1024xf32, #tpu.memory_space<hbm>> -> memref<40x1024xf32, #tpu.memory_space<hbm>>
    %dma_wait3A_42 = arith.constant 0 : i32
    %dma_wait3A_43 = tpu.memref_slice %arg4[%add3A_26, %dma_wait3A_42] : memref<5120x1024xf32, #tpu.memory_space<hbm>> -> memref<40x1024xf32, #tpu.memory_space<hbm>>
    tpu.wait_dma2 semaphore(%arg11 : memref<!tpu.dma_semaphore, #tpu.memory_space<semaphore_mem>>) src(%arg7 : memref<40x1024xf32, #tpu.memory_space<vmem>>) dst(%dma_wait3A_43 : memref<40x1024xf32, #tpu.memory_space<hbm>>)
    %dma_start3A_44 = arith.constant 120 : i32
    %dma_start3A_45 = tpu.memref_slice %arg5[%dma_start3A_44] : memref<160xi32, #tpu.memory_space<vmem>> -> memref<40xi32, #tpu.memory_space<vmem>>
    %dma_start3A_46 = arith.constant 0 : i32
    %dma_start3A_47 = arith.constant 0 : i32
    %dma_start3A_48 = tpu.memref_slice %arg2[%dma_start3A_46, %dma_start3A_47] : memref<2048x1024xf32, #tpu.memory_space<hbm>> -> memref<2048x1024xf32, #tpu.memory_space<hbm>>
    tpu.enqueue_indirect_dma source(%dma_start3A_48 : memref<2048x1024xf32, #tpu.memory_space<hbm>>) target(%arg7 : memref<40x1024xf32, #tpu.memory_space<vmem>>) offsets(%dma_start3A_45 : memref<40xi32, #tpu.memory_space<vmem>>) semaphore(%arg9 : memref<!tpu.dma_semaphore, #tpu.memory_space<semaphore_mem>>)
    %dma_wait3A_49 = arith.constant 80 : i32
    %dma_wait3A_50 = tpu.memref_slice %arg5[%dma_wait3A_49] : memref<160xi32, #tpu.memory_space<vmem>> -> memref<40xi32, #tpu.memory_space<vmem>>
    %dma_wait3A_51 = arith.constant 0 : i32
    %dma_wait3A_52 = arith.constant 0 : i32
    %dma_wait3A_53 = tpu.memref_slice %arg2[%dma_wait3A_51, %dma_wait3A_52] : memref<2048x1024xf32, #tpu.memory_space<hbm>> -> memref<2048x1024xf32, #tpu.memory_space<hbm>>
    tpu.wait_indirect_dma semaphore(%arg8 : memref<!tpu.dma_semaphore, #tpu.memory_space<semaphore_mem>>) src(%dma_wait3A_53 : memref<2048x1024xf32, #tpu.memory_space<hbm>>) dst(%arg6 : memref<40x1024xf32, #tpu.memory_space<vmem>>)
    %add3A_54 = arith.constant 80 : i32
    %add3A_55 = arith.addi %mul3A_2, %add3A_54 : i32
    %dma_start3A_56 = arith.constant 0 : i32
    %dma_start3A_57 = tpu.memref_slice %arg4[%add3A_55, %dma_start3A_56] : memref<5120x1024xf32, #tpu.memory_space<hbm>> -> memref<40x1024xf32, #tpu.memory_space<hbm>>
    %dma_start3A_58 = arith.constant 0 : i32
    %dma_start3A_59 = tpu.memref_slice %arg4[%add3A_55, %dma_start3A_58] : memref<5120x1024xf32, #tpu.memory_space<hbm>> -> memref<40x1024xf32, #tpu.memory_space<hbm>>
    tpu.enqueue_dma source(%arg6 : memref<40x1024xf32, #tpu.memory_space<vmem>>) target(%dma_start3A_59 : memref<40x1024xf32, #tpu.memory_space<hbm>>) target_semaphore(%arg10 : memref<!tpu.dma_semaphore, #tpu.memory_space<semaphore_mem>>)
    %dma_wait3A_60 = arith.constant 120 : i32
    %dma_wait3A_61 = tpu.memref_slice %arg5[%dma_wait3A_60] : memref<160xi32, #tpu.memory_space<vmem>> -> memref<40xi32, #tpu.memory_space<vmem>>
    %dma_wait3A_62 = arith.constant 0 : i32
    %dma_wait3A_63 = arith.constant 0 : i32
    %dma_wait3A_64 = tpu.memref_slice %arg2[%dma_wait3A_62, %dma_wait3A_63] : memref<2048x1024xf32, #tpu.memory_space<hbm>> -> memref<2048x1024xf32, #tpu.memory_space<hbm>>
    tpu.wait_indirect_dma semaphore(%arg9 : memref<!tpu.dma_semaphore, #tpu.memory_space<semaphore_mem>>) src(%dma_wait3A_64 : memref<2048x1024xf32, #tpu.memory_space<hbm>>) dst(%arg7 : memref<40x1024xf32, #tpu.memory_space<vmem>>)
    %add3A_65 = arith.constant 120 : i32
    %add3A_66 = arith.addi %mul3A_2, %add3A_65 : i32
    %dma_start3A_67 = arith.constant 0 : i32
    %dma_start3A_68 = tpu.memref_slice %arg4[%add3A_66, %dma_start3A_67] : memref<5120x1024xf32, #tpu.memory_space<hbm>> -> memref<40x1024xf32, #tpu.memory_space<hbm>>
    %dma_start3A_69 = arith.constant 0 : i32
    %dma_start3A_70 = tpu.memref_slice %arg4[%add3A_66, %dma_start3A_69] : memref<5120x1024xf32, #tpu.memory_space<hbm>> -> memref<40x1024xf32, #tpu.memory_space<hbm>>
    tpu.enqueue_dma source(%arg7 : memref<40x1024xf32, #tpu.memory_space<vmem>>) target(%dma_start3A_70 : memref<40x1024xf32, #tpu.memory_space<hbm>>) target_semaphore(%arg11 : memref<!tpu.dma_semaphore, #tpu.memory_space<semaphore_mem>>)
    %dma_wait3A_71 = arith.constant 0 : i32
    %dma_wait3A_72 = tpu.memref_slice %arg4[%add3A_55, %dma_wait3A_71] : memref<5120x1024xf32, #tpu.memory_space<hbm>> -> memref<40x1024xf32, #tpu.memory_space<hbm>>
    %dma_wait3A_73 = arith.constant 0 : i32
    %dma_wait3A_74 = tpu.memref_slice %arg4[%add3A_55, %dma_wait3A_73] : memref<5120x1024xf32, #tpu.memory_space<hbm>> -> memref<40x1024xf32, #tpu.memory_space<hbm>>
    tpu.wait_dma2 semaphore(%arg10 : memref<!tpu.dma_semaphore, #tpu.memory_space<semaphore_mem>>) src(%arg6 : memref<40x1024xf32, #tpu.memory_space<vmem>>) dst(%dma_wait3A_74 : memref<40x1024xf32, #tpu.memory_space<hbm>>)
    %dma_wait3A_75 = arith.constant 0 : i32
    %dma_wait3A_76 = tpu.memref_slice %arg4[%add3A_66, %dma_wait3A_75] : memref<5120x1024xf32, #tpu.memory_space<hbm>> -> memref<40x1024xf32, #tpu.memory_space<hbm>>
    %dma_wait3A_77 = arith.constant 0 : i32
    %dma_wait3A_78 = tpu.memref_slice %arg4[%add3A_66, %dma_wait3A_77] : memref<5120x1024xf32, #tpu.memory_space<hbm>> -> memref<40x1024xf32, #tpu.memory_space<hbm>>
    tpu.wait_dma2 semaphore(%arg11 : memref<!tpu.dma_semaphore, #tpu.memory_space<semaphore_mem>>) src(%arg7 : memref<40x1024xf32, #tpu.memory_space<vmem>>) dst(%dma_wait3A_78 : memref<40x1024xf32, #tpu.memory_space<hbm>>)
    return
  }
}

#map = affine_map<(d0, d1) -> (0, 0)>
#map1 = affine_map<(d0, d1) -> (0)>
module attributes {stable_mosaic.version = 14 : i64} {
  func.func @_sc_combine_body(%arg0: i32, %arg1: i32, %arg2: memref<5120x1024xf32, #tpu.memory_space<hbm>>, %arg3: memref<4096xi32, #tpu.memory_space<hbm>>, %arg4: memref<4096x1024xf32, #tpu.memory_space<hbm>>, %arg5: memref<128xi32, #tpu.memory_space<vmem>>, %arg6: memref<32x1024xf32, #tpu.memory_space<vmem>>, %arg7: memref<32x1024xf32, #tpu.memory_space<vmem>>, %arg8: memref<!tpu.dma_semaphore, #tpu.memory_space<semaphore_mem>>, %arg9: memref<!tpu.dma_semaphore, #tpu.memory_space<semaphore_mem>>, %arg10: memref<!tpu.dma_semaphore, #tpu.memory_space<semaphore_mem>>, %arg11: memref<!tpu.dma_semaphore, #tpu.memory_space<semaphore_mem>>) attributes {dimension_semantics = [#tpu.dimension_semantics<core_parallel>, #tpu.dimension_semantics<subcore_parallel>], iteration_bounds = array<i64: 2, 16>, scalar_prefetch = 0 : i64, scratch_operands = 7 : i64, tpu.core_type = #tpu.core_type<sc_vector_subcore>, window_params = [{transform_indices = #map}, {transform_indices = #map1}, {transform_indices = #map}]} {
    %mul3A = arith.constant 2 : i32
    %mul3A_0 = arith.muli %arg1, %mul3A : i32
    %add3A = arith.addi %mul3A_0, %arg0 : i32
    %mul3A_1 = arith.constant 128 : i32
    %mul3A_2 = arith.muli %add3A, %mul3A_1 : i32
    "tpu.region"() ({
      %run_scoped3A = tpu.sem_alloc : memref<!tpu.dma_semaphore, #tpu.memory_space<semaphore_mem>>
      %dma_start3A_79 = tpu.memref_slice %arg3[%mul3A_2] : memref<4096xi32, #tpu.memory_space<hbm>> -> memref<128xi32, #tpu.memory_space<hbm>>
      %dma_start3A_80 = tpu.memref_slice %arg3[%mul3A_2] : memref<4096xi32, #tpu.memory_space<hbm>> -> memref<128xi32, #tpu.memory_space<hbm>>
      tpu.enqueue_dma source(%dma_start3A_80 : memref<128xi32, #tpu.memory_space<hbm>>) target(%arg5 : memref<128xi32, #tpu.memory_space<vmem>>) target_semaphore(%run_scoped3A : memref<!tpu.dma_semaphore, #tpu.memory_space<semaphore_mem>>)
      %dma_wait3A_81 = tpu.memref_slice %arg3[%mul3A_2] : memref<4096xi32, #tpu.memory_space<hbm>> -> memref<128xi32, #tpu.memory_space<hbm>>
      %dma_wait3A_82 = tpu.memref_slice %arg3[%mul3A_2] : memref<4096xi32, #tpu.memory_space<hbm>> -> memref<128xi32, #tpu.memory_space<hbm>>
      tpu.wait_dma2 semaphore(%run_scoped3A : memref<!tpu.dma_semaphore, #tpu.memory_space<semaphore_mem>>) src(%dma_wait3A_82 : memref<128xi32, #tpu.memory_space<hbm>>) dst(%arg5 : memref<128xi32, #tpu.memory_space<vmem>>)
      tpu.yield
    }) : () -> ()
    %dma_start3A = arith.constant 0 : i32
    %dma_start3A_3 = tpu.memref_slice %arg5[%dma_start3A] : memref<128xi32, #tpu.memory_space<vmem>> -> memref<32xi32, #tpu.memory_space<vmem>>
    %dma_start3A_4 = arith.constant 0 : i32
    %dma_start3A_5 = arith.constant 0 : i32
    %dma_start3A_6 = tpu.memref_slice %arg2[%dma_start3A_4, %dma_start3A_5] : memref<5120x1024xf32, #tpu.memory_space<hbm>> -> memref<5120x1024xf32, #tpu.memory_space<hbm>>
    tpu.enqueue_indirect_dma source(%dma_start3A_6 : memref<5120x1024xf32, #tpu.memory_space<hbm>>) target(%arg6 : memref<32x1024xf32, #tpu.memory_space<vmem>>) offsets(%dma_start3A_3 : memref<32xi32, #tpu.memory_space<vmem>>) semaphore(%arg8 : memref<!tpu.dma_semaphore, #tpu.memory_space<semaphore_mem>>)
    %dma_start3A_7 = arith.constant 32 : i32
    %dma_start3A_8 = tpu.memref_slice %arg5[%dma_start3A_7] : memref<128xi32, #tpu.memory_space<vmem>> -> memref<32xi32, #tpu.memory_space<vmem>>
    %dma_start3A_9 = arith.constant 0 : i32
    %dma_start3A_10 = arith.constant 0 : i32
    %dma_start3A_11 = tpu.memref_slice %arg2[%dma_start3A_9, %dma_start3A_10] : memref<5120x1024xf32, #tpu.memory_space<hbm>> -> memref<5120x1024xf32, #tpu.memory_space<hbm>>
    tpu.enqueue_indirect_dma source(%dma_start3A_11 : memref<5120x1024xf32, #tpu.memory_space<hbm>>) target(%arg7 : memref<32x1024xf32, #tpu.memory_space<vmem>>) offsets(%dma_start3A_8 : memref<32xi32, #tpu.memory_space<vmem>>) semaphore(%arg9 : memref<!tpu.dma_semaphore, #tpu.memory_space<semaphore_mem>>)
    %dma_wait3A = arith.constant 0 : i32
    %dma_wait3A_12 = tpu.memref_slice %arg5[%dma_wait3A] : memref<128xi32, #tpu.memory_space<vmem>> -> memref<32xi32, #tpu.memory_space<vmem>>
    %dma_wait3A_13 = arith.constant 0 : i32
    %dma_wait3A_14 = arith.constant 0 : i32
    %dma_wait3A_15 = tpu.memref_slice %arg2[%dma_wait3A_13, %dma_wait3A_14] : memref<5120x1024xf32, #tpu.memory_space<hbm>> -> memref<5120x1024xf32, #tpu.memory_space<hbm>>
    tpu.wait_indirect_dma semaphore(%arg8 : memref<!tpu.dma_semaphore, #tpu.memory_space<semaphore_mem>>) src(%dma_wait3A_15 : memref<5120x1024xf32, #tpu.memory_space<hbm>>) dst(%arg6 : memref<32x1024xf32, #tpu.memory_space<vmem>>)
    %dma_start3A_16 = arith.constant 0 : i32
    %dma_start3A_17 = tpu.memref_slice %arg4[%mul3A_2, %dma_start3A_16] : memref<4096x1024xf32, #tpu.memory_space<hbm>> -> memref<32x1024xf32, #tpu.memory_space<hbm>>
    %dma_start3A_18 = arith.constant 0 : i32
    %dma_start3A_19 = tpu.memref_slice %arg4[%mul3A_2, %dma_start3A_18] : memref<4096x1024xf32, #tpu.memory_space<hbm>> -> memref<32x1024xf32, #tpu.memory_space<hbm>>
    tpu.enqueue_dma source(%arg6 : memref<32x1024xf32, #tpu.memory_space<vmem>>) target(%dma_start3A_19 : memref<32x1024xf32, #tpu.memory_space<hbm>>) target_semaphore(%arg10 : memref<!tpu.dma_semaphore, #tpu.memory_space<semaphore_mem>>)
    %dma_wait3A_20 = arith.constant 32 : i32
    %dma_wait3A_21 = tpu.memref_slice %arg5[%dma_wait3A_20] : memref<128xi32, #tpu.memory_space<vmem>> -> memref<32xi32, #tpu.memory_space<vmem>>
    %dma_wait3A_22 = arith.constant 0 : i32
    %dma_wait3A_23 = arith.constant 0 : i32
    %dma_wait3A_24 = tpu.memref_slice %arg2[%dma_wait3A_22, %dma_wait3A_23] : memref<5120x1024xf32, #tpu.memory_space<hbm>> -> memref<5120x1024xf32, #tpu.memory_space<hbm>>
    tpu.wait_indirect_dma semaphore(%arg9 : memref<!tpu.dma_semaphore, #tpu.memory_space<semaphore_mem>>) src(%dma_wait3A_24 : memref<5120x1024xf32, #tpu.memory_space<hbm>>) dst(%arg7 : memref<32x1024xf32, #tpu.memory_space<vmem>>)
    %add3A_25 = arith.constant 32 : i32
    %add3A_26 = arith.addi %mul3A_2, %add3A_25 : i32
    %dma_start3A_27 = arith.constant 0 : i32
    %dma_start3A_28 = tpu.memref_slice %arg4[%add3A_26, %dma_start3A_27] : memref<4096x1024xf32, #tpu.memory_space<hbm>> -> memref<32x1024xf32, #tpu.memory_space<hbm>>
    %dma_start3A_29 = arith.constant 0 : i32
    %dma_start3A_30 = tpu.memref_slice %arg4[%add3A_26, %dma_start3A_29] : memref<4096x1024xf32, #tpu.memory_space<hbm>> -> memref<32x1024xf32, #tpu.memory_space<hbm>>
    tpu.enqueue_dma source(%arg7 : memref<32x1024xf32, #tpu.memory_space<vmem>>) target(%dma_start3A_30 : memref<32x1024xf32, #tpu.memory_space<hbm>>) target_semaphore(%arg11 : memref<!tpu.dma_semaphore, #tpu.memory_space<semaphore_mem>>)
    %dma_wait3A_31 = arith.constant 0 : i32
    %dma_wait3A_32 = tpu.memref_slice %arg4[%mul3A_2, %dma_wait3A_31] : memref<4096x1024xf32, #tpu.memory_space<hbm>> -> memref<32x1024xf32, #tpu.memory_space<hbm>>
    %dma_wait3A_33 = arith.constant 0 : i32
    %dma_wait3A_34 = tpu.memref_slice %arg4[%mul3A_2, %dma_wait3A_33] : memref<4096x1024xf32, #tpu.memory_space<hbm>> -> memref<32x1024xf32, #tpu.memory_space<hbm>>
    tpu.wait_dma2 semaphore(%arg10 : memref<!tpu.dma_semaphore, #tpu.memory_space<semaphore_mem>>) src(%arg6 : memref<32x1024xf32, #tpu.memory_space<vmem>>) dst(%dma_wait3A_34 : memref<32x1024xf32, #tpu.memory_space<hbm>>)
    %dma_start3A_35 = arith.constant 64 : i32
    %dma_start3A_36 = tpu.memref_slice %arg5[%dma_start3A_35] : memref<128xi32, #tpu.memory_space<vmem>> -> memref<32xi32, #tpu.memory_space<vmem>>
    %dma_start3A_37 = arith.constant 0 : i32
    %dma_start3A_38 = arith.constant 0 : i32
    %dma_start3A_39 = tpu.memref_slice %arg2[%dma_start3A_37, %dma_start3A_38] : memref<5120x1024xf32, #tpu.memory_space<hbm>> -> memref<5120x1024xf32, #tpu.memory_space<hbm>>
    tpu.enqueue_indirect_dma source(%dma_start3A_39 : memref<5120x1024xf32, #tpu.memory_space<hbm>>) target(%arg6 : memref<32x1024xf32, #tpu.memory_space<vmem>>) offsets(%dma_start3A_36 : memref<32xi32, #tpu.memory_space<vmem>>) semaphore(%arg8 : memref<!tpu.dma_semaphore, #tpu.memory_space<semaphore_mem>>)
    %dma_wait3A_40 = arith.constant 0 : i32
    %dma_wait3A_41 = tpu.memref_slice %arg4[%add3A_26, %dma_wait3A_40] : memref<4096x1024xf32, #tpu.memory_space<hbm>> -> memref<32x1024xf32, #tpu.memory_space<hbm>>
    %dma_wait3A_42 = arith.constant 0 : i32
    %dma_wait3A_43 = tpu.memref_slice %arg4[%add3A_26, %dma_wait3A_42] : memref<4096x1024xf32, #tpu.memory_space<hbm>> -> memref<32x1024xf32, #tpu.memory_space<hbm>>
    tpu.wait_dma2 semaphore(%arg11 : memref<!tpu.dma_semaphore, #tpu.memory_space<semaphore_mem>>) src(%arg7 : memref<32x1024xf32, #tpu.memory_space<vmem>>) dst(%dma_wait3A_43 : memref<32x1024xf32, #tpu.memory_space<hbm>>)
    %dma_start3A_44 = arith.constant 96 : i32
    %dma_start3A_45 = tpu.memref_slice %arg5[%dma_start3A_44] : memref<128xi32, #tpu.memory_space<vmem>> -> memref<32xi32, #tpu.memory_space<vmem>>
    %dma_start3A_46 = arith.constant 0 : i32
    %dma_start3A_47 = arith.constant 0 : i32
    %dma_start3A_48 = tpu.memref_slice %arg2[%dma_start3A_46, %dma_start3A_47] : memref<5120x1024xf32, #tpu.memory_space<hbm>> -> memref<5120x1024xf32, #tpu.memory_space<hbm>>
    tpu.enqueue_indirect_dma source(%dma_start3A_48 : memref<5120x1024xf32, #tpu.memory_space<hbm>>) target(%arg7 : memref<32x1024xf32, #tpu.memory_space<vmem>>) offsets(%dma_start3A_45 : memref<32xi32, #tpu.memory_space<vmem>>) semaphore(%arg9 : memref<!tpu.dma_semaphore, #tpu.memory_space<semaphore_mem>>)
    %dma_wait3A_49 = arith.constant 64 : i32
    %dma_wait3A_50 = tpu.memref_slice %arg5[%dma_wait3A_49] : memref<128xi32, #tpu.memory_space<vmem>> -> memref<32xi32, #tpu.memory_space<vmem>>
    %dma_wait3A_51 = arith.constant 0 : i32
    %dma_wait3A_52 = arith.constant 0 : i32
    %dma_wait3A_53 = tpu.memref_slice %arg2[%dma_wait3A_51, %dma_wait3A_52] : memref<5120x1024xf32, #tpu.memory_space<hbm>> -> memref<5120x1024xf32, #tpu.memory_space<hbm>>
    tpu.wait_indirect_dma semaphore(%arg8 : memref<!tpu.dma_semaphore, #tpu.memory_space<semaphore_mem>>) src(%dma_wait3A_53 : memref<5120x1024xf32, #tpu.memory_space<hbm>>) dst(%arg6 : memref<32x1024xf32, #tpu.memory_space<vmem>>)
    %add3A_54 = arith.constant 64 : i32
    %add3A_55 = arith.addi %mul3A_2, %add3A_54 : i32
    %dma_start3A_56 = arith.constant 0 : i32
    %dma_start3A_57 = tpu.memref_slice %arg4[%add3A_55, %dma_start3A_56] : memref<4096x1024xf32, #tpu.memory_space<hbm>> -> memref<32x1024xf32, #tpu.memory_space<hbm>>
    %dma_start3A_58 = arith.constant 0 : i32
    %dma_start3A_59 = tpu.memref_slice %arg4[%add3A_55, %dma_start3A_58] : memref<4096x1024xf32, #tpu.memory_space<hbm>> -> memref<32x1024xf32, #tpu.memory_space<hbm>>
    tpu.enqueue_dma source(%arg6 : memref<32x1024xf32, #tpu.memory_space<vmem>>) target(%dma_start3A_59 : memref<32x1024xf32, #tpu.memory_space<hbm>>) target_semaphore(%arg10 : memref<!tpu.dma_semaphore, #tpu.memory_space<semaphore_mem>>)
    %dma_wait3A_60 = arith.constant 96 : i32
    %dma_wait3A_61 = tpu.memref_slice %arg5[%dma_wait3A_60] : memref<128xi32, #tpu.memory_space<vmem>> -> memref<32xi32, #tpu.memory_space<vmem>>
    %dma_wait3A_62 = arith.constant 0 : i32
    %dma_wait3A_63 = arith.constant 0 : i32
    %dma_wait3A_64 = tpu.memref_slice %arg2[%dma_wait3A_62, %dma_wait3A_63] : memref<5120x1024xf32, #tpu.memory_space<hbm>> -> memref<5120x1024xf32, #tpu.memory_space<hbm>>
    tpu.wait_indirect_dma semaphore(%arg9 : memref<!tpu.dma_semaphore, #tpu.memory_space<semaphore_mem>>) src(%dma_wait3A_64 : memref<5120x1024xf32, #tpu.memory_space<hbm>>) dst(%arg7 : memref<32x1024xf32, #tpu.memory_space<vmem>>)
    %add3A_65 = arith.constant 96 : i32
    %add3A_66 = arith.addi %mul3A_2, %add3A_65 : i32
    %dma_start3A_67 = arith.constant 0 : i32
    %dma_start3A_68 = tpu.memref_slice %arg4[%add3A_66, %dma_start3A_67] : memref<4096x1024xf32, #tpu.memory_space<hbm>> -> memref<32x1024xf32, #tpu.memory_space<hbm>>
    %dma_start3A_69 = arith.constant 0 : i32
    %dma_start3A_70 = tpu.memref_slice %arg4[%add3A_66, %dma_start3A_69] : memref<4096x1024xf32, #tpu.memory_space<hbm>> -> memref<32x1024xf32, #tpu.memory_space<hbm>>
    tpu.enqueue_dma source(%arg7 : memref<32x1024xf32, #tpu.memory_space<vmem>>) target(%dma_start3A_70 : memref<32x1024xf32, #tpu.memory_space<hbm>>) target_semaphore(%arg11 : memref<!tpu.dma_semaphore, #tpu.memory_space<semaphore_mem>>)
    %dma_wait3A_71 = arith.constant 0 : i32
    %dma_wait3A_72 = tpu.memref_slice %arg4[%add3A_55, %dma_wait3A_71] : memref<4096x1024xf32, #tpu.memory_space<hbm>> -> memref<32x1024xf32, #tpu.memory_space<hbm>>
    %dma_wait3A_73 = arith.constant 0 : i32
    %dma_wait3A_74 = tpu.memref_slice %arg4[%add3A_55, %dma_wait3A_73] : memref<4096x1024xf32, #tpu.memory_space<hbm>> -> memref<32x1024xf32, #tpu.memory_space<hbm>>
    tpu.wait_dma2 semaphore(%arg10 : memref<!tpu.dma_semaphore, #tpu.memory_space<semaphore_mem>>) src(%arg6 : memref<32x1024xf32, #tpu.memory_space<vmem>>) dst(%dma_wait3A_74 : memref<32x1024xf32, #tpu.memory_space<hbm>>)
    %dma_wait3A_75 = arith.constant 0 : i32
    %dma_wait3A_76 = tpu.memref_slice %arg4[%add3A_66, %dma_wait3A_75] : memref<4096x1024xf32, #tpu.memory_space<hbm>> -> memref<32x1024xf32, #tpu.memory_space<hbm>>
    %dma_wait3A_77 = arith.constant 0 : i32
    %dma_wait3A_78 = tpu.memref_slice %arg4[%add3A_66, %dma_wait3A_77] : memref<4096x1024xf32, #tpu.memory_space<hbm>> -> memref<32x1024xf32, #tpu.memory_space<hbm>>
    tpu.wait_dma2 semaphore(%arg11 : memref<!tpu.dma_semaphore, #tpu.memory_space<semaphore_mem>>) src(%arg7 : memref<32x1024xf32, #tpu.memory_space<vmem>>) dst(%dma_wait3A_78 : memref<32x1024xf32, #tpu.memory_space<hbm>>)
    return
  }
}

module attributes {stable_mosaic.version = 14 : i64} {
  func.func @_router_body(%arg0: memref<2048x1024xf32, #tpu.memory_space<vmem>>, %arg1: memref<8x1024xf32, #tpu.memory_space<vmem>>, %arg2: memref<8xf32, #tpu.memory_space<vmem>>, %arg3: memref<2048x2xi32, #tpu.memory_space<vmem>>, %arg4: memref<2048x2xf32, #tpu.memory_space<vmem>>, %arg5: memref<1x1xf32, #tpu.memory_space<smem>>) attributes {dimension_semantics = [], scalar_prefetch = 0 : i64, scratch_operands = 0 : i64, tpu.core_type = #tpu.core_type<tc>} {
    %get3A = arith.constant 0 : index
    %get3A_0 = arith.constant 0 : index
    %get3A_1 = vector.load %arg0[%get3A, %get3A_0] : memref<2048x1024xf32, #tpu.memory_space<vmem>>, vector<2048x1024xf32>
    %get3A_2 = arith.constant 0 : index
    %get3A_3 = arith.constant 0 : index
    %get3A_4 = vector.load %arg1[%get3A_2, %get3A_3] : memref<8x1024xf32, #tpu.memory_space<vmem>>, vector<8x1024xf32>
    %dot_general3A = arith.constant dense<0.000000e+00> : vector<2048x8xf32>
    %dot_general3A_5 = tpu.matmul %get3A_1, %get3A_4, %dot_general3A {dimension_numbers = #tpu.dot_dimension_numbers<[1], [1], [0], [0], [0, 0, 1, 0], [], []>, transpose_lhs_hint = false} : vector<2048x1024xf32>, vector<8x1024xf32>, vector<2048x8xf32> -> vector<2048x8xf32>
    %get3A_6 = arith.constant 0 : index
    %get3A_7 = vector.load %arg2[%get3A_6] : memref<8xf32, #tpu.memory_space<vmem>>, vector<8xf32>
    %broadcast_in_dim3A = vector.shape_cast %get3A_7 : vector<8xf32> to vector<1x8xf32>
    %add3A = vector.broadcast %broadcast_in_dim3A : vector<1x8xf32> to vector<2048x8xf32>
    %add3A_8 = arith.addf %dot_general3A_5, %add3A : vector<2048x8xf32>
    %reduce_max3A = arith.constant dense<0xFF800000> : vector<2048xf32>
    %reduce_max3A_9 = vector.multi_reduction <maximumf>, %add3A_8, %reduce_max3A [1] : vector<2048x8xf32> to vector<2048xf32>
    %broadcast_in_dim3A_10 = vector.shape_cast %reduce_max3A_9 : vector<2048xf32> to vector<2048x1xf32>
    %sub3A = vector.broadcast %broadcast_in_dim3A_10 : vector<2048x1xf32> to vector<2048x8xf32>
    %sub3A_11 = arith.subf %add3A_8, %sub3A : vector<2048x8xf32>
    %exp3A = math.exp %sub3A_11 : vector<2048x8xf32>
    %reduce_sum3A = arith.constant dense<0.000000e+00> : vector<2048xf32>
    %reduce_sum3A_12 = vector.multi_reduction <add>, %exp3A, %reduce_sum3A [1] : vector<2048x8xf32> to vector<2048xf32>
    %broadcast_in_dim3A_13 = vector.shape_cast %reduce_sum3A_12 : vector<2048xf32> to vector<2048x1xf32>
    %div3A = vector.broadcast %broadcast_in_dim3A_13 : vector<2048x1xf32> to vector<2048x8xf32>
    %div3A_14 = arith.divf %exp3A, %div3A : vector<2048x8xf32>
    %iota3A = tpu.iota {dimensions = array<i32: 1>} : vector<2048x8xi32>
    %reduce_max3A_15 = arith.constant dense<0xFF800000> : vector<2048xf32>
    %reduce_max3A_16 = vector.multi_reduction <maximumf>, %div3A_14, %reduce_max3A_15 [1] : vector<2048x8xf32> to vector<2048xf32>
    %broadcast_in_dim3A_17 = vector.shape_cast %reduce_max3A_16 : vector<2048xf32> to vector<2048x1xf32>
    %eq3A = vector.broadcast %broadcast_in_dim3A_17 : vector<2048x1xf32> to vector<2048x8xf32>
    %eq3A_18 = arith.cmpf oeq, %div3A_14, %eq3A : vector<2048x8xf32>
    %jit3A = arith.constant 8 : i32
    %broadcast_in_dim3A_19 = vector.broadcast %jit3A : i32 to vector<2048x8xi32>
    %select_n3A = arith.select %eq3A_18, %iota3A, %broadcast_in_dim3A_19 : vector<2048x8xi1>, vector<2048x8xi32>
    %reduce_min3A = arith.constant dense<2147483647> : vector<2048xi32>
    %reduce_min3A_20 = vector.multi_reduction <minsi>, %select_n3A, %reduce_min3A [1] : vector<2048x8xi32> to vector<2048xi32>
    %broadcast_in_dim3A_21 = vector.shape_cast %reduce_min3A_20 : vector<2048xi32> to vector<2048x1xi32>
    %eq3A_22 = vector.broadcast %broadcast_in_dim3A_21 : vector<2048x1xi32> to vector<2048x8xi32>
    %eq3A_23 = arith.cmpi eq, %iota3A, %eq3A_22 : vector<2048x8xi32>
    %jit3A_24 = arith.constant 0xFF800000 : f32
    %broadcast_in_dim3A_25 = vector.broadcast %jit3A_24 : f32 to vector<2048x8xf32>
    %select_n3A_26 = arith.select %eq3A_23, %broadcast_in_dim3A_25, %div3A_14 : vector<2048x8xi1>, vector<2048x8xf32>
    %reduce_max3A_27 = arith.constant dense<0xFF800000> : vector<2048xf32>
    %reduce_max3A_28 = vector.multi_reduction <maximumf>, %select_n3A_26, %reduce_max3A_27 [1] : vector<2048x8xf32> to vector<2048xf32>
    %broadcast_in_dim3A_29 = vector.shape_cast %reduce_max3A_28 : vector<2048xf32> to vector<2048x1xf32>
    %eq3A_30 = vector.broadcast %broadcast_in_dim3A_29 : vector<2048x1xf32> to vector<2048x8xf32>
    %eq3A_31 = arith.cmpf oeq, %select_n3A_26, %eq3A_30 : vector<2048x8xf32>
    %jit3A_32 = arith.constant 8 : i32
    %broadcast_in_dim3A_33 = vector.broadcast %jit3A_32 : i32 to vector<2048x8xi32>
    %select_n3A_34 = arith.select %eq3A_31, %iota3A, %broadcast_in_dim3A_33 : vector<2048x8xi1>, vector<2048x8xi32>
    %reduce_min3A_35 = arith.constant dense<2147483647> : vector<2048xi32>
    %reduce_min3A_36 = vector.multi_reduction <minsi>, %select_n3A_34, %reduce_min3A_35 [1] : vector<2048x8xi32> to vector<2048xi32>
    %broadcast_in_dim3A_37 = vector.shape_cast %reduce_min3A_36 : vector<2048xi32> to vector<2048x1xi32>
    %add3A_38 = arith.addf %broadcast_in_dim3A_17, %broadcast_in_dim3A_29 : vector<2048x1xf32>
    %add3A_39 = arith.constant 9.99999997E-7 : f32
    %add3A_40 = vector.broadcast %add3A_39 : f32 to vector<2048x1xf32>
    %add3A_41 = arith.addf %add3A_38, %add3A_40 : vector<2048x1xf32>
    %concatenate3A = tpu.concatenate %broadcast_in_dim3A_21, %broadcast_in_dim3A_37 in 1 : vector<2048x1xi32>, vector<2048x1xi32> -> vector<2048x2xi32>
    %swap3A = arith.constant 0 : index
    %swap3A_42 = arith.constant 0 : index
    %swap3A_43 = vector.load %arg3[%swap3A, %swap3A_42] : memref<2048x2xi32, #tpu.memory_space<vmem>>, vector<2048x2xi32>
    tpu.vector_store %arg3[%swap3A, %swap3A_42], %concatenate3A {strides = array<i32>} : memref<2048x2xi32, #tpu.memory_space<vmem>>, vector<2048x2xi32>,
    %div3A_44 = arith.divf %broadcast_in_dim3A_17, %add3A_41 : vector<2048x1xf32>
    %div3A_45 = arith.divf %broadcast_in_dim3A_29, %add3A_41 : vector<2048x1xf32>
    %concatenate3A_46 = tpu.concatenate %div3A_44, %div3A_45 in 1 : vector<2048x1xf32>, vector<2048x1xf32> -> vector<2048x2xf32>
    %swap3A_47 = arith.constant 0 : index
    %swap3A_48 = arith.constant 0 : index
    %swap3A_49 = vector.load %arg4[%swap3A_47, %swap3A_48] : memref<2048x2xf32, #tpu.memory_space<vmem>>, vector<2048x2xf32>
    tpu.vector_store %arg4[%swap3A_47, %swap3A_48], %concatenate3A_46 {strides = array<i32>} : memref<2048x2xf32, #tpu.memory_space<vmem>>, vector<2048x2xf32>,
    %eq3A_50 = vector.broadcast %broadcast_in_dim3A_21 : vector<2048x1xi32> to vector<2048x8xi32>
    %eq3A_51 = arith.cmpi eq, %iota3A, %eq3A_50 : vector<2048x8xi32>
    %eq3A_52 = vector.broadcast %broadcast_in_dim3A_37 : vector<2048x1xi32> to vector<2048x8xi32>
    %eq3A_53 = arith.cmpi eq, %iota3A, %eq3A_52 : vector<2048x8xi32>
    %or3A = arith.ori %eq3A_51, %eq3A_53 : vector<2048x8xi1>
    %convert_element_type3A = arith.extui %or3A : vector<2048x8xi1> to vector<2048x8xi32>
    %convert_element_type3A_54 = arith.sitofp %convert_element_type3A : vector<2048x8xi32> to vector<2048x8xf32>
    %reduce_sum3A_55 = arith.constant dense<0.000000e+00> : vector<8xf32>
    %reduce_sum3A_56 = vector.multi_reduction <add>, %convert_element_type3A_54, %reduce_sum3A_55 [0] : vector<2048x8xf32> to vector<8xf32>
    %div3A_57 = arith.constant 2.048000e+03 : f32
    %div3A_58 = vector.broadcast %div3A_57 : f32 to vector<8xf32>
    %div3A_59 = arith.divf %reduce_sum3A_56, %div3A_58 : vector<8xf32>
    %reduce_sum3A_60 = arith.constant dense<0.000000e+00> : vector<8xf32>
    %reduce_sum3A_61 = vector.multi_reduction <add>, %div3A_14, %reduce_sum3A_60 [0] : vector<2048x8xf32> to vector<8xf32>
    %div3A_62 = arith.constant 2.048000e+03 : f32
    %div3A_63 = vector.broadcast %div3A_62 : f32 to vector<8xf32>
    %div3A_64 = arith.divf %reduce_sum3A_61, %div3A_63 : vector<8xf32>
    %mul3A = arith.mulf %div3A_59, %div3A_64 : vector<8xf32>
    %reduce_sum3A_65 = vector.shape_cast %mul3A : vector<8xf32> to vector<1x8xf32>
    %reduce_sum3A_66 = arith.constant dense<0.000000e+00> : vector<1xf32>
    %reduce_sum3A_67 = vector.multi_reduction <add>, %reduce_sum3A_65, %reduce_sum3A_66 [1] : vector<1x8xf32> to vector<1xf32>
    %reduce_sum3A_68 = vector.shape_cast %reduce_sum3A_67 : vector<1xf32> to vector<1x1xf32>
    %reduce_sum3A_69 = vector.extract %reduce_sum3A_68[0, 0] : f32 from vector<1x1xf32>
    %mul3A_70 = arith.constant 8.000000e+00 : f32
    %mul3A_71 = arith.mulf %reduce_sum3A_69, %mul3A_70 : f32
    %swap3A_72 = arith.constant 0 : index
    %swap3A_73 = arith.constant 0 : index
    %swap3A_74 = memref.load %arg5[%swap3A_72, %swap3A_73] : memref<1x1xf32, #tpu.memory_space<smem>>
    memref.store %mul3A_71, %arg5[%swap3A_72, %swap3A_73] : memref<1x1xf32, #tpu.memory_space<smem>>
    return
  }
}

module attributes {stable_mosaic.version = 14 : i64} {
  func.func @_mm_body(%arg0: i32, %arg1: memref<40xi32, #tpu.memory_space<smem>>, %arg2: memref<1xi32, #tpu.memory_space<smem>>, %arg3: memref<128x1024xf32, #tpu.memory_space<vmem>>, %arg4: memref<1x1024x1024xf32, #tpu.memory_space<vmem>>, %arg5: memref<1x1x1024xf32, #tpu.memory_space<vmem>>, %arg6: memref<128x1xf32, #tpu.memory_space<vmem>>, %arg7: memref<128x1024xf32, #tpu.memory_space<vmem>>) attributes {dimension_semantics = [#tpu.dimension_semantics<arbitrary>], iteration_bounds = array<i64: 40>, scalar_prefetch = 2 : i64, scratch_operands = 0 : i64, tpu.core_type = #tpu.core_type<tc>, window_params = [{transform_indices = @transform_0, window_bounds = array<i64: 128, 1024>}, {transform_indices = @transform_1, window_bounds = array<i64: 1, 1024, 1024>}, {transform_indices = @transform_2, window_bounds = array<i64: 1, 1, 1024>}, {transform_indices = @transform_3, window_bounds = array<i64: 128, 1>}, {transform_indices = @transform_4, window_bounds = array<i64: 128, 1024>}]} {
    %get3A = arith.constant 0 : index
    %get3A_0 = memref.load %arg2[%get3A] : memref<1xi32, #tpu.memory_space<smem>>
    %lt3A = arith.cmpi slt, %arg0, %get3A_0 : i32
    %convert_element_type3A = arith.extui %lt3A : i1 to i32
    %cond3A = arith.constant 0 : i32
    %cond3A_1 = arith.cmpi ne, %convert_element_type3A, %cond3A : i32
    scf.if %cond3A_1 {
      %get3A_2 = arith.constant 0 : index
      %get3A_3 = arith.constant 0 : index
      %get3A_4 = vector.load %arg3[%get3A_2, %get3A_3] : memref<128x1024xf32, #tpu.memory_space<vmem>>, vector<128x1024xf32>
      %convert_element_type3A_5 = arith.truncf %get3A_4 : vector<128x1024xf32> to vector<128x1024xbf16>
      %get3A_6 = arith.constant 0 : index
      %get3A_7 = arith.constant 0 : index
      %get3A_8 = arith.constant 0 : index
      %get3A_9 = vector.load %arg4[%get3A_6, %get3A_7, %get3A_8] : memref<1x1024x1024xf32, #tpu.memory_space<vmem>>, vector<1x1024x1024xf32>
      %get3A_10 = vector.shape_cast %get3A_9 : vector<1x1024x1024xf32> to vector<1024x1024xf32>
      %convert_element_type3A_11 = arith.truncf %get3A_10 : vector<1024x1024xf32> to vector<1024x1024xbf16>
      %dot_general3A = arith.constant dense<0.000000e+00> : vector<128x1024xf32>
      %dot_general3A_12 = tpu.matmul %convert_element_type3A_5, %convert_element_type3A_11, %dot_general3A {dimension_numbers = #tpu.dot_dimension_numbers<[1], [1], [0], [0], [0, 0, 1, 0], [], []>, transpose_lhs_hint = false} : vector<128x1024xbf16>, vector<1024x1024xbf16>, vector<128x1024xf32> -> vector<128x1024xf32>
      %get3A_13 = arith.constant 0 : index
      %get3A_14 = arith.constant 0 : index
      %get3A_15 = arith.constant 0 : index
      %get3A_16 = vector.load %arg5[%get3A_13, %get3A_14, %get3A_15] : memref<1x1x1024xf32, #tpu.memory_space<vmem>>, vector<1x1x1024xf32>
      %get3A_17 = vector.shape_cast %get3A_16 : vector<1x1x1024xf32> to vector<1x1024xf32>
      %add3A = vector.broadcast %get3A_17 : vector<1x1024xf32> to vector<128x1024xf32>
      %add3A_18 = arith.addf %dot_general3A_12, %add3A : vector<128x1024xf32>
      %get3A_19 = arith.constant 0 : index
      %get3A_20 = arith.constant 0 : index
      %get3A_21 = vector.load %arg6[%get3A_19, %get3A_20] : memref<128x1xf32, #tpu.memory_space<vmem>>, vector<128x1xf32>
      %mul3A = vector.broadcast %get3A_21 : vector<128x1xf32> to vector<128x1024xf32>
      %mul3A_22 = arith.mulf %mul3A, %add3A_18 : vector<128x1024xf32>
      %swap3A = arith.constant 0 : index
      %swap3A_23 = arith.constant 0 : index
      %swap3A_24 = vector.load %arg7[%swap3A, %swap3A_23] : memref<128x1024xf32, #tpu.memory_space<vmem>>, vector<128x1024xf32>
      tpu.vector_store %arg7[%swap3A, %swap3A_23], %mul3A_22 {strides = array<i32>} : memref<128x1024xf32, #tpu.memory_space<vmem>>, vector<128x1024xf32>,
    } else {
    }
    return
  }
  func.func @transform_0(%arg0: i32, %arg1: memref<40xi32, #tpu.memory_space<smem>>, %arg2: memref<1xi32, #tpu.memory_space<smem>>) -> (i32, i32) {
    %c0_i32 = arith.constant 0 : i32
    %c0_i32_0 = arith.constant 0 : i32
    return %arg0, %c0_i32 : i32, i32
  }
  func.func @transform_1(%arg0: i32, %arg1: memref<40xi32, #tpu.memory_space<smem>>, %arg2: memref<1xi32, #tpu.memory_space<smem>>) -> (i32, i32, i32) {
    %get3A = arith.index_cast %arg0 : i32 to index
    %get3A_0 = memref.load %arg1[%get3A] : memref<40xi32, #tpu.memory_space<smem>>
    %c0_i32 = arith.constant 0 : i32
    %c0_i32_1 = arith.constant 0 : i32
    %c0_i32_2 = arith.constant 0 : i32
    return %get3A_0, %c0_i32, %c0_i32_1 : i32, i32, i32
  }
  func.func @transform_2(%arg0: i32, %arg1: memref<40xi32, #tpu.memory_space<smem>>, %arg2: memref<1xi32, #tpu.memory_space<smem>>) -> (i32, i32, i32) {
    %get3A = arith.index_cast %arg0 : i32 to index
    %get3A_0 = memref.load %arg1[%get3A] : memref<40xi32, #tpu.memory_space<smem>>
    %c0_i32 = arith.constant 0 : i32
    %c0_i32_1 = arith.constant 0 : i32
    %c0_i32_2 = arith.constant 0 : i32
    return %get3A_0, %c0_i32, %c0_i32_1 : i32, i32, i32
  }
  func.func @transform_3(%arg0: i32, %arg1: memref<40xi32, #tpu.memory_space<smem>>, %arg2: memref<1xi32, #tpu.memory_space<smem>>) -> (i32, i32) {
    %c0_i32 = arith.constant 0 : i32
    %c0_i32_0 = arith.constant 0 : i32
    return %arg0, %c0_i32 : i32, i32
  }
  func.func @transform_4(%arg0: i32, %arg1: memref<40xi32, #tpu.memory_space<smem>>, %arg2: memref<1xi32, #tpu.memory_space<smem>>) -> (i32, i32) {
    %c0_i32 = arith.constant 0 : i32
    %c0_i32_0 = arith.constant 0 : i32
    return %arg0, %c0_i32 : i32, i32
  }
}

module attributes {stable_mosaic.version = 14 : i64} {
  func.func @_add_body(%arg0: i32, %arg1: memref<256x2x1024xf32, #tpu.memory_space<vmem>>, %arg2: memref<256x1024xf32, #tpu.memory_space<vmem>>) attributes {dimension_semantics = [#tpu.dimension_semantics<arbitrary>], iteration_bounds = array<i64: 8>, scalar_prefetch = 0 : i64, scratch_operands = 0 : i64, tpu.core_type = #tpu.core_type<tc>, window_params = [{transform_indices = @transform_0, window_bounds = array<i64: 256, 2, 1024>}, {transform_indices = @transform_1, window_bounds = array<i64: 256, 1024>}]} {
    %get3A = arith.constant 0 : index
    %get3A_0 = arith.constant 0 : index
    %get3A_1 = arith.constant 0 : index
    %get3A_2 = vector.load %arg1[%get3A, %get3A_0, %get3A_1] : memref<256x2x1024xf32, #tpu.memory_space<vmem>>, vector<256x1x1024xf32>
    %get3A_3 = vector.shape_cast %get3A_2 : vector<256x1x1024xf32> to vector<256x1024xf32>
    %get3A_4 = arith.constant 0 : index
    %get3A_5 = arith.constant 1 : index
    %get3A_6 = arith.constant 0 : index
    %get3A_7 = vector.load %arg1[%get3A_4, %get3A_5, %get3A_6] : memref<256x2x1024xf32, #tpu.memory_space<vmem>>, vector<256x1x1024xf32>
    %get3A_8 = vector.shape_cast %get3A_7 : vector<256x1x1024xf32> to vector<256x1024xf32>
    %add3A = arith.addf %get3A_3, %get3A_8 : vector<256x1024xf32>
    %swap3A = arith.constant 0 : index
    %swap3A_9 = arith.constant 0 : index
    %swap3A_10 = vector.load %arg2[%swap3A, %swap3A_9] : memref<256x1024xf32, #tpu.memory_space<vmem>>, vector<256x1024xf32>
    tpu.vector_store %arg2[%swap3A, %swap3A_9], %add3A {strides = array<i32>} : memref<256x1024xf32, #tpu.memory_space<vmem>>, vector<256x1024xf32>,
    return
  }
  func.func @transform_0(%arg0: i32) -> (i32, i32, i32) {
    %c0_i32 = arith.constant 0 : i32
    %c0_i32_0 = arith.constant 0 : i32
    %c0_i32_1 = arith.constant 0 : i32
    return %arg0, %c0_i32, %c0_i32_0 : i32, i32, i32
  }
  func.func @transform_1(%arg0: i32) -> (i32, i32) {
    %c0_i32 = arith.constant 0 : i32
    %c0_i32_0 = arith.constant 0 : i32
    return %arg0, %c0_i32 : i32, i32
  }
}

</mosaic_0001>

<sc_bundles>
// kernel: gather_offload_async_start
scs
__scs_entry_jumppad:
0x0: {  	(pc) =	sbr.rel $0x88, $3  }
0x1: {  	(tag) =	ssettag $0x0;
	lr =	simm.s32 $0x1  }
0x2: {  	[smem:$0x3F9C] =	sst lr;
	_ =	strace $0xD0000000  }
0x3: {  	_ = 	snop  }
0x4: {  	_ = 	snop  }
0x5: {  	_ = 	snop  }
0x6: {  	_ = 	snop  }
0x7: {  	_ = 	snop  }
__scs_overlays_trampoline_lowered:
0x8: {  	[smem:$0x3FAB] =	sst s0  }
0x9: {  	[smem:$0x3FAC] =	sst s1  }
0xa: {  	[smem:$0x3FAD] =	sst s2  }
0xb: {  	[smem:$0x3FAE] =	sst s3  }
0xc: {  	[smem:$0x3FAF] =	sst s4  }
0xd: {  	[smem:$0x3FB0] =	sst s5  }
0xe: {  	[smem:$0x3FB1] =	sst s6  }
0xf: {  	[smem:$0x3FB2] =	sst s7  }
0x10: {  	[smem:$0x3FB3] =	sst s8  }
0x11: {  	[smem:$0x3FB4] =	sst s9;
	s0 =	simm.s32 @!p0 $0x0  }
0x12: {  	s1 =	sld [smem:$0x3F9A];
	s0 =	simm.s32 @p0 $0x1  }
0x13: {  	[smem:$0x3FB5] =	sst s0;
	s0 =	simm.s32 @!p1 $0x0  }
0x14: {  	s2 =	sld [smem:$0x3F99];
	s0 =	simm.s32 @p1 $0x1  }
0x15: {  	[smem:$0x3FB6] =	sst s0;
	s0 =	simm.s32 @!p2 $0x0  }
0x16: {  	s3 =	sld [smem:$0x3FDB];
	s0 =	simm.s32 @p2 $0x1  }
0x17: {  	s4 =	simm.s32 $0x1BF5;
	[smem:$0x3FB8] =	sst s0  }
0x18: {  	s0 =	sld [smem:$0x3F9B];
	_ =	swait.ge [sflag:s4], $0x0  }
0x19: {  	s7 =	sld [smem:$0x3F9C]  }
0x1a: {  	s8 =	sadd.s32 $0xFFFFE003, lr  }
0x1b: {  	s9 =	sadd.s32 $0xFFFFFEF7, lr;
	s5 =	simm.s32 $0xFFFFFFFF;
	p2 =	slt.u32 s8, $0xFFFFF086  }
0x1c: {  	p1 =	slt.u32 s9, $0xF7A;
	s5 =	simm.s32 @!p2 $0x0  }
0x1d: {  	s5 =	simm.s32 @p1 $0x1;
	p0 =	seq.s32 s7, s2  }
0x1e: {  	s7 =	smul.u32 @!p0 $0xF7A, s2;
	p2 =	seq.s32 @!p0 s5, $0x0  }
0x1f: {  	s9 =	smul.u32 $0xF7A, s1;
	s8 =	simm.s32 @!p0 $0x1BF5;
	p2 =	por !p2, p0  }
0x20: {  	[sflag:s8] =	ssyncset.s32 @!p0 $0xFFFFF086;
	s6 =	sadd.s32 @!p0 s3, s7;
	s7 =	simm.s32 @!p0 $0x108  }
0x21: {  	s3 =	sadd.s32 s3, s9;
	s6 =	sadd.s32 @!p0 $0x88, s6;
	s7 =	simm.s32 @p2 $0x1082  }
0x22: {  	[simem:s7], [sflag:s8] =	dma.local @!p0 [hbm:s6], $0xF7A  }
0x23: {  	s9 =	sor.u32 $0xD0000000, s2;
	s6 =	simm.s32 $0x108;
	_ =	swait.ge @!p0 [sflag:s8], $0x0  }
0x24: {  	s3 =	sadd.s32 $0x88, s3;
	s6 =	simm.s32 @!p1 $0x1082;
	[sflag:s4] =	ssyncset.s32 $0xFFFFF086  }
0x25: {  	[simem:s6], [sflag:s4] =	dma.local [hbm:s3], $0xF7A  }
0x26: {  	[smem:$0x3F9C] =	sst s1;
	(tag) =	ssettag s2;
	_ =	strace s9  }
0x27: {  	s1 =	sld [smem:$0x3FAC]  }
0x28: {  	s2 =	sld [smem:$0x3FAD]  }
0x29: {  	s4 =	sld [smem:$0x3FAF]  }
0x2a: {  	p0 =	seq.s32 s5, $0x0;
	s5 =	sld [smem:$0x3FB0]  }
0x2b: {  	s6 =	sld [smem:$0x3FB1]  }
0x2c: {  	s7 =	sld [smem:$0x3FB2]  }
0x2d: {  	s3 =	simm.s32 $0x108;
	s8 =	sld [smem:$0x3FB3]  }
0x2e: {  	s3 =	simm.s32 @!p0 $0x1082;
	s9 =	sld [smem:$0x3FB4]  }
0x2f: {  	lr =	sadd.s32 s0, s3;
	s0 =	sld [smem:$0x3FAB]  }
0x30: {  	s3 =	sld [smem:$0x3FAE]  }
0x31: {  	[smem:$0x3FB7] =	sst s10  }
0x32: {  	s10 =	sld [smem:$0x3FB5];
	_ =	sdelay $0x3  }
0x33: {  	p0 =	seq.s32 s10, $0x1;
	s10 =	sld [smem:$0x3FB7];
	_ =	sdelay $0x3  }
0x34: {  	[smem:$0x3FB7] =	sst s10  }
0x35: {  	s10 =	sld [smem:$0x3FB6];
	_ =	sdelay $0x3  }
0x36: {  	p1 =	seq.s32 s10, $0x1;
	s10 =	sld [smem:$0x3FB7];
	_ =	sdelay $0x3  }
0x37: {  	[smem:$0x3FB7] =	sst s10  }
0x38: {  	s10 =	sld [smem:$0x3FB8]  }
0x39: {  	_ = 	snop;
	(pc) =	sbr.ind lr, $3  }
0x3a: {  	_ = 	snop  }
0x3b: {  	_ = 	snop  }
0x3c: {  	p2 =	seq.s32 s10, $0x1;
	s10 =	sld [smem:$0x3FB7]  }
0x3d: {  	_ =	shalt  }
0x3e: {  	_ =	shalt  }
0x3f: {  	_ =	shalt  }
0x40: {  	_ =	shalt  }
0x41: {  	_ =	shalt  }
0x42: {  	_ =	shalt  }
0x43: {  	_ =	shalt  }
0x44: {  	_ =	shalt  }
0x45: {  	_ =	shalt  }
0x46: {  	_ =	shalt  }
0x47: {  	_ =	shalt  }
0x48: {  	_ =	shalt  }
0x49: {  	_ =	shalt  }
0x4a: {  	_ =	shalt  }
0x4b: {  	_ =	shalt  }
0x4c: {  	_ =	shalt  }
0x4d: {  	_ =	shalt  }
0x4e: {  	_ =	shalt  }
0x4f: {  	_ =	shalt  }
0x50: {  	_ =	shalt  }
0x51: {  	_ =	shalt  }
0x52: {  	_ =	shalt  }
0x53: {  	_ =	shalt  }
0x54: {  	_ =	shalt  }
0x55: {  	_ =	shalt  }
0x56: {  	_ =	shalt  }
0x57: {  	_ =	shalt  }
0x58: {  	_ =	shalt  }
0x59: {  	_ =	shalt  }
0x5a: {  	_ =	shalt  }
0x5b: {  	_ =	shalt  }
0x5c: {  	_ =	shalt  }
0x5d: {  	_ =	shalt  }
0x5e: {  	_ =	shalt  }
0x5f: {  	_ =	shalt  }
0x60: {  	_ =	shalt  }
0x61: {  	_ =	shalt  }
0x62: {  	_ =	shalt  }
0x63: {  	_ =	shalt  }
0x64: {  	_ =	shalt  }
0x65: {  	_ =	shalt  }
0x66: {  	_ =	shalt  }
0x67: {  	_ =	shalt  }
0x68: {  	_ =	shalt  }
0x69: {  	_ =	shalt  }
0x6a: {  	_ =	shalt  }
0x6b: {  	_ =	shalt  }
0x6c: {  	_ =	shalt  }
0x6d: {  	_ =	shalt  }
0x6e: {  	_ =	shalt  }
0x6f: {  	_ =	shalt  }
0x70: {  	_ =	shalt  }
0x71: {  	_ =	shalt  }
0x72: {  	_ =	shalt  }
0x73: {  	_ =	shalt  }
0x74: {  	_ =	shalt  }
0x75: {  	_ =	shalt  }
0x76: {  	_ =	shalt  }
0x77: {  	_ =	shalt  }
0x78: {  	_ =	shalt  }
0x79: {  	_ =	shalt  }
0x7a: {  	_ =	shalt  }
0x7b: {  	_ =	shalt  }
0x7c: {  	_ =	shalt  }
0x7d: {  	_ =	shalt  }
0x7e: {  	_ =	shalt  }
0x7f: {  	_ =	shalt  }
0x80: {  	_ =	shalt  }
0x81: {  	_ =	shalt  }
0x82: {  	_ =	shalt  }
0x83: {  	_ =	shalt  }
0x84: {  	_ =	shalt  }
0x85: {  	_ =	shalt  }
0x86: {  	_ =	shalt  }
0x87: {  	_ =	shalt  }
.Lfunc_end0:
.L_simem_size_0:
called_computation_lowered:
.L_overlay_start_0:
0x88: {  	s2 =	sld [smem:$0x3FD9]  }
0x89: {  	s3 =	sld [smem:$0x3FFE];
	_ =	sdelay $0x1  }
0x8a: {  	s1 =	srdreg.scid  }
0x8b: {  	s0 =	sand.u32 $0x1, s1  }
0x8c: {  	s14 =	sshll.u32 s0, $0xA;
	s2 =	sadd.s32 s3, s2  }
0x8d: {  	s2 =	sadd.s32 s2, s14  }
0x8e: {  	[smem:$0x3FC3] =	sst s2  }
0x8f: {  	_ = 	snop  }
0x90: {  	s2 =	sld [smem:$0x3FD0];
	_ =	sdelay $0x2  }
0x91: {  	s15 =	simm.s32 $0xA;
	s4 =	simm.s32 $0x10  }
0x92: {  	[smem:s4], [sflag:s15] =	dma.local [hbm:s2], $0x1  }
0x93: {  	_ =	swait.eq [sflag:s15], $0x1  }
0x94: {  	[sflag:s15] =	ssyncset.done $0x0  }
0x95: {  	[sflag:s15] =	ssyncadd.s32 $0xFFFFFFFF  }
0x96: {  	s16 =	sld [smem:$0x10];
	(tm) =	ssettm $0x1  }
0x97: {  	s17 =	sld [smem:$0x3FFB];
	_ =	sdelay $0x3  }
0x98: {  	_ =	strace s17  }
0x99: {  	s3 =	sld [smem:$0x3FFC];
	_ =	sdelay $0x3  }
0x9a: {  	_ =	strace s3  }
0x9b: {  	s3 =	sld [smem:$0x3FFD];
	_ =	sdelay $0x3  }
0x9c: {  	_ =	strace s3  }
0x9d: {  	_ =	strace $0x8FFFFFFF  }
0x9e: {  	s18 =	sld [smem:$0x3FDB];
	_ =	sdelay $0x1  }
0x9f: {  	s19 =	simm.s32 $_scs_section_size  }
0xa0: {  	s5 =	simm.s32 $_size__tile_overlayer_lowered;
	s6 =	simm.s32 $_tile_overlayer_lowered  }
0xa1: {  	s22 =	simm.s32 $0x1BFF;
	s21 =	sshll.u32 s6, $0x1;
	s3 =	sadd.s32 s19, s18  }
0xa2: {  	s7 =	simm.s32 $0x0;
	s20 =	sshll.u32 s5, $0x1;
	s5 =	sadd.s32 s21, s3  }
0xa3: {  	[timem:s7], [sflag:s22] =	dma.local [hbm:s5], s20  }
0xa4: {  	_ =	swait.ge [sflag:s22], s20  }
0xa5: {  	s4 =	ssub.s32 $0x0, s20;
	[sflag:s22] =	ssyncset.done $0x0  }
0xa6: {  	[sflag:s22] =	ssyncadd.s32 s4;
	_ =	sdelay $0x1  }
0xa7: {  	s23 =	simm.s32 $0x1B8B  }
0xa8: {  	_ =	swait.ge [sflag:s23], $0x1  }
0xa9: {  	[sflag:s23] =	ssyncset.done $0x0  }
0xaa: {  	s25 =	simm.s32 $0x1B8E;
	s24 =	sld [smem:$0x3FFE];
	[sflag:s23] =	ssyncadd.s32 $0xFFFFFFFF  }
0xab: {  	s26 =	simm.s32 $execute0_lowered;
	[smem:$0x3FD2] =	sst s25  }
0xac: {  	s5 =	sshll.u32 s26, $0x1;
	_ =	strace $0x80000046;
	[dreg:$0x1] =	wrdreg $0xFFFFFFFF  }
0xad: {  	s28 =	simm.s32 $_size_execute0_lowered;
	s3 =	sadd.s32 s3, s5;
	[dreg:$0x0] =	wrdreg $0x0  }
0xae: {  	s5 =	sshll.u32 s28, $0x1;
	[dreg:$0x2] =	wrdreg s3  }
0xaf: {  	[dreg:$0x3] =	wrdreg s5  }
0xb0: {  	[dreg:$0x4] =	wrdreg $0xC0  }
0xb1: {  	_ =	task [dreg:s7], $0x5FFFF  }
0xb2: {  	[dreg:$0x1] =	wrdreg $0xFFFFFFFF  }
0xb3: {  	[dreg:$0x0] =	wrdreg $0x60  }
0xb4: {  	[dreg:$0x2] =	wrdreg s16  }
0xb5: {  	[dreg:$0x3] =	wrdreg s24  }
0xb6: {  	[dreg:$0x4] =	wrdreg $0x9  }
0xb7: {  	_ =	task.clear_ibuf [dreg:s7], $0x5FFFF;
	_ =	strace $0x90000046  }
0xb8: {  	s29 =	simm.s32 $0x9;
	_ =	strace $0x80000048  }
0xb9: {  	_ =	swait.ge [sflag:s29], $0x1  }
0xba: {  	[sflag:s29] =	ssyncadd.s32 $0xFFFFFFFF  }
0xbb: {  	_ =	strace $0x90000048  }
0xbc: {  	_ =	sfence  }
0xbd: {  	s30 =	sld [smem:$0x0];
	_ =	sdelay $0x2  }
0xbe: {  	s31 =	sshll.u32 s1, $0xD;
	s1 =	sshrl.u32 s1, $0x2  }
0xbf: {  	s3 =	sand.u32 $0x4000, s31;
	s1 =	sadd.s32 s1, s30  }
0xc0: {  	s0 =	sor.u32 s3, s0;
	s1 =	sshll.u32 s1, $0x11  }
0xc1: {  	s0 =	sor.u32 s1, s0  }
0xc2: {  	s0 =	sadd.s32 $0x8F2B, s0  }
0xc3: {  	[sflag:s0] =	ssyncadd.remote.s32 $0x1  }
0xc4: {  	_ =	sfence.sel $0xFFFF  }
0xc5: {  	[dreg:$0x0] =	wrdreg $0xFFFFFFFF;
	(pc) =	sbr.abs _section_cstart, $3  }
0xc6: {  	[dreg:$0x1] =	wrdreg $0xFFFFFFFF  }
0xc7: {  	_ =	task.clear_ibuf [dreg:s7], $0x2FFFF;
	_ =	strace $0x9FFFFFFF  }
0xc8: {  	(tm) =	ssettm $0x7FFFFFFF  }
0xc9: {  	_ =	shalt  }
tec
execute0_lowered:
.L_overlay_start_1:
0x0: {  	(tag) =	ssettag $0x1  }
0x1: {  	s1 =	srdreg.scid;
	s2 =	rddreg [dreg:$0x0]  }
0x2: {  	s0 =	stileid.u32;
	s3 =	rddreg [dreg:$0x1]  }
0x3: {  	s6 =	simm.s32 $0x1;
	s9 =	simm.s32 $0x1;
	s1 =	sshll.u32 s1, $0x6  }
0x4: {  	s10 =	simm.s32 $0x3;
	s4 =	sshll.u32 s0, $0x7;
	s5 =	sand.u32 $0x40, s1  }
0x5: {  	s13 =	simm.s32 $0x0;
	s12 =	simm.s32 $0x0;
	s4 =	sor.u32 s4, s5  }
0x6: {  	s1 =	rddreg [dreg:$0x2];
	_ =	strace $0x80000047;
	s8 =	ssub.s32 $0x1000, s4  }
.Ltmp0:
0x7: {  	s5 =	sadd.s32 $0x1200, s3;
	s7 =	sand.u32 $0x7C0, s8;
	(pc) =	sbr.rel .LBB2_1-.Ltmp0, $4  }
0x8: {  	[sflag:s6] =	ssyncpa.u1 $0x0;
	s11 =	smov.u32 s4;
	p0 =	sne.s32 s7, $0x0  }
0x9: {  	s8 =	sshrl.u32 s8, $0xB;
	s7 =	simm.s32 $0x2;
	s9 =	simm.s32 @!p0 $0x0  }
0xa: {  	[sflag:s7] =	ssyncpa.u1 $0x0;
	p0 =	por $0x0, $0x0;
	s8 =	sadd.s32 s9, s8  }
0xb: {  	vm0 =	vmmov $0xffff;
	[sflag:s10] =	ssyncpa.u1 $0x0;
	s10 =	simm.s32 $0x0;
	s9 =	sadd.s32 $0x1, s8  }
.LBB2_4:
0xc: {  	v5 =	vshrl.u32 v1, $0xC;
	v6 =	vshll.u32 v1, $0x7  }
0xd: {  	vm1 =	veq.s32 v1, $0x80000000;
	v58 =	vand.u32 $0x7, v5;
	v59 =	vand.u32 $0x7FF80, v6  }
0xe: {  	v1 =	vsel vm1, $0xFFFFFFFF, v58;
	v5 =	vsel vm1, $0xFFFFFF80, v59  }
0xf: {  	v3 =	vor.u32 v4, v3;
	v60 =	vand.u32 $0xFFFFFC00, v5;
	v61 =	vand.u32 $0xFFFFFC00, v1  }
0x10: {  	v2 =	vor.u32 v2, v3;
	v63 =	vand.u32 $0x380, v5;
	v62 =	vadd.s32 v61, v60  }
0x11: {  	v1 =	vand.u32 $0x7F, v1;
	v3 =	vor.u32 v63, v62  }
0x12: {  	v1 =	vor.u32 v1, v3  }
0x13: {  	[tilespmem:s15], [sflag:$0x1] =	stream.indirect_vreg.gather [hbm4b:s2+s10], $0x1, v0, vm0, $0x4038;
	[tilespmem:$0x100] =	vst v63  }
0x14: {  	(ifvalue) =	ssetifvalue $0x7FFFFFFF  }
0x15: {  	[tilespmem:s16], [sflag:$0x1] =	stream.indirect_vreg.gather [hbm4b:s2+s10], $0x1, v2, vm0, $0x4038;
	[tilespmem:$0x100] =	vst v63  }
0x16: {  	s29 =	sadd.s32 $0x10, s16;
	(ifvalue) =	ssetifvalue $0x7FFFFFFF  }
0x17: {  	[tilespmem:s29], [sflag:$0x1] =	stream.indirect_vreg.gather [hbm4b:s2+s10], $0x1, v1, vm0, $0x4038;
	[tilespmem:$0x100] =	vst v63  }
0x18: {  	_ =	swait.ge [sflag:s6], $0x40  }
0x19: {  	s30 =	sshrl.u32 s13, $0x3;
	[sflag:s6] =	ssyncset.done $0x0  }
0x1a: {  	s31 =	sand.u32 $0x7, s13;
	s15 =	sadd.s32 s5, s30;
	[sflag:s6] =	ssyncadd.s32 $0xFFFFFFC0  }
0x1b: {  	[hbm4b:s15+s31] =	stream.linear.scatter [tilespmem:s14], [sflag:$0x3], $0x40, $0x38;
	[tilespmem:$0x100] =	vst v63  }
.LBB2_5:
0x1c: {  	s15 =	sadd.s32 $0x800, s11  }
0x1d: {  	p2 =	sgt.s32 s15, $0xFFF  }
0x1e: {  	s15 =	smov.u32 @p2 s4;
	p2 =	sne.s32 s12, s9  }
.Ltmp1:
0x1f: {  	p1 =	slt.u32 s12, $0x2;
	(pc) =	sbr.rel @!p2 .LBB2_6-.Ltmp1, $4  }
0x20: {  	s14 =	simm.s32 @!p1 $0x3  }
0x21: {  	s16 =	sadd.s32 $0x1, s12;
	_ =	swait.ge @!p1 [sflag:s14], $0x40  }
0x22: {  	s13 =	smov.u32 s11;
	p0 =	por !p0, !p0;
	[sflag:s14] =	ssyncset.done @!p1 $0x0  }
0x23: {  	s12 =	smov.u32 s16;
	s11 =	smov.u32 s15;
	[sflag:s14] =	ssyncadd.s32 @!p1 $0xFFFFFFC0  }
.LBB2_1:
0x24: {  	p1 =	sge.u32 s12, s8  }
0x25: {  	s14 =	sxor.u32 @!p1 $0xFFFFFFFF, s12  }
0x26: {  	s31 =	sadd.s32 $0xFFFFFFFF, s12;
	s15 =	sshrl.u32 @!p1 s11, $0x3;
	s14 =	sshll.u32 @!p1 s14, $0x6  }
0x27: {  	s16 =	sand.u32 @!p1 $0x7, s11;
	s15 =	sadd.s32 @!p1 s3, s15;
	s14 =	sand.u32 @!p1 $0x40, s14  }
0x28: {  	[tilespmem:s14], [sflag:$0x2] =	stream.linear.gather @!p1 [hbm4b:s15+s16], $0x40, $0x38;
	[tilespmem:$0x100] =	vst v63  }
0x29: {  	p1 =	sge.u32 s31, s8  }
.Ltmp2:
0x2a: {  	_ = 	snop;
	(pc) =	sbr.rel @p1 .LBB2_5-.Ltmp2, $1  }
0x2b: {  	_ =	sdelay $0x3  }
0x2c: {  	s14 =	simm.s32 $0x1  }
0x2d: {  	_ =	swait.ge [sflag:s7], $0x40;
	s14 =	simm.s32 @!p0 $0x0  }
0x2e: {  	[sflag:s7] =	ssyncset.done $0x0;
	s14 =	sshll.u32 s14, $0x6  }
0x2f: {  	[sflag:s7] =	ssyncadd.s32 $0xFFFFFFC0;
	(ifvalue) =	ssetifvalue $0x7FFFFFFF;
	v0 =	vld.msk [tilespmem:s14+$0x0 ss:$0x1], $0xffff;
	_ =	sdelay $0x4  }
0x30: {  	s15 =	sadd.s32 $0x10, s14;
	v2 =	vshrl.u32 v0, $0xC;
	v3 =	vshll.u32 v0, $0x7  }
0x31: {  	v1 =	vld.msk [tilespmem:s15+$0x0 ss:$0x1], $0xffff;
	vm1 =	veq.s32 v0, $0x80000000;
	v0 =	vand.u32 $0x7, v2;
	v2 =	vand.u32 $0x7FF80, v3  }
0x32: {  	v0 =	vsel vm1, $0xFFFFFFFF, v0;
	v2 =	vsel vm1, $0xFFFFFF80, v2  }
0x33: {  	v3 =	vand.u32 $0xFFFFFC00, v2;
	v4 =	vand.u32 $0xFFFFFC00, v0  }
0x34: {  	v2 =	vand.u32 $0x380, v2;
	v3 =	vadd.s32 v4, v3  }
0x35: {  	v0 =	vand.u32 $0x7F, v0;
	v2 =	vor.u32 v2, v3  }
0x36: {  	v5 =	vshll.u32 v1, $0x7;
	v4 =	vshrl.u32 v1, $0xC;
	v0 =	vor.u32 v0, v2  }
0x37: {  	s16 =	sshll.u32 s12, $0x6;
	vm1 =	veq.s32 v1, $0x80000000;
	v1 =	vand.u32 $0x7, v4;
	v4 =	vand.u32 $0x7FF80, v5  }
0x38: {  	s16 =	sand.u32 $0x40, s16;
	s18 =	sadd.s32 $0x10, s15;
	v3 =	vsel vm1, $0xFFFFFFFF, v1;
	v4 =	vsel vm1, $0xFFFFFF80, v4  }
0x39: {  	s17 =	simm.s32 $0x20;
	s15 =	sor.u32 $0x80, s14;
	s14 =	sor.u32 $0x80, s16;
	v1 =	vld.msk [tilespmem:s18+$0x0 ss:$0x1], $0xffff;
	v5 =	vand.u32 $0xFFFFFC00, v4;
	v6 =	vand.u32 $0xFFFFFC00, v3  }
0x3a: {  	s16 =	sadd.s32 $0x10, s15;
	s18 =	sadd.s32 $0x10, s18;
	(ifvalue) =	ssetifvalue $0x7FFFFFFF;
	v2 =	vand.u32 $0x7F, v3;
	v4 =	vand.u32 $0x380, v4;
	v3 =	vadd.s32 v6, v5  }
.LBB2_3:
0x3b: {  	[tilespmem:s15], [sflag:$0x1] =	stream.indirect_vreg.gather [hbm4b:s2+s10], $0x1, v0, vm0, $0x4038;
	[tilespmem:$0x100] =	vst v63  }
0x3c: {  	s17 =	sadd.s32 $0x10, s17  }
0x3d: {  	v3 =	vor.u32 v4, v3;
	p1 =	slt.u32 s17, $0x30  }
.Ltmp3:
0x3e: {  	v4 =	vshrl.u32 v1, $0xC;
	v5 =	vshll.u32 v1, $0x7;
	s15 =	smov.u32 s16;
	v0 =	vor.u32 v2, v3;
	v2 =	vmovc v1;
	v1 =	vld.msk [tilespmem:s18+$0x0 ss:$0x1], $0xffff;
	(pc) =	sbr.rel @p1 .LBB2_3-.Ltmp3, $4  }
0x3f: {  	v3 =	vand.u32 $0x7FF80, v5;
	vm1 =	veq.s32 v2, $0x80000000;
	v2 =	vand.u32 $0x7, v4  }
0x40: {  	v4 =	vsel vm1, $0xFFFFFFFF, v2;
	v5 =	vsel vm1, $0xFFFFFF80, v3  }
0x41: {  	v2 =	vand.u32 $0x7F, v4;
	v3 =	vand.u32 $0xFFFFFC00, v5;
	v4 =	vand.u32 $0xFFFFFC00, v4  }
0x42: {  	s16 =	sadd.s32 $0x10, s16;
	s18 =	sadd.s32 $0x10, s18;
	v3 =	vadd.s32 v4, v3;
	v4 =	vand.u32 $0x380, v5;
	(ifvalue) =	ssetifvalue $0x7FFFFFFF  }
.Ltmp4:
0x43: {  	_ = 	snop;
	(pc) =	sbr.rel .LBB2_4-.Ltmp4, $1  }
0x44: {  	_ =	sdelay $0x3  }
.LBB2_6:
0x45: {  	_ =	sfence.sel $0x180000  }
0x46: {  	s2 =	simm.s32 $0x2;
	[bflag:$0x0] =	sbarrier.arrive $0xFFFF  }
0x47: {  	s30 =	simm.s32 $0x3;
	[sflag:s2] =	ssyncpa.u1 $0x1  }
0x48: {  	s31 =	simm.s32 $0x1;
	[sflag:s30] =	ssyncpa.u1 $0x1  }
0x49: {  	[sflag:s31] =	ssyncpa.u1 $0x1  }
0x4a: {  	p0 =	sne.s32 s0, $0x0;
	_ =	strace $0x90000047  }
0x4b: {  	s0 =	sadd.s32 @!p0 $0x100000, s1;
	[bflag:$0x2] =	sbarrier.arrive $0xFFFF  }
0x4c: {  	[sflag:s0] =	ssyncadd.tile.s32 @!p0 $0x1;
	_ =	shalt  }
.Lfunc_end2:
_tile_overlayer_lowered:
.L_overlay_start_2:
0x4d: {  	(tag) =	ssettag $0x2  }
0x4e: {  	s0 =	rddreg [dreg:$0x0];
	s2 =	stileid.u32  }
0x4f: {  	s1 =	rddreg [dreg:$0x1];
	p0 =	sne.s32 s2, $0x0  }
0x50: {  	s3 =	rddreg [dreg:$0x2];
	[bflag:$0x3] =	sbarrier.arrive $0xFFFF;
	s2 =	simm.s32 @!p0 $0x1C01  }
0x51: {  	[timem:s3], [sflag:s2] =	dma.local @!p0 [hbm:s0], s1  }
0x52: {  	s0 =	simm.s32 @!p0 $0x1  }
0x53: {  	_ =	swait.ge @!p0 [sflag:s0], s1  }
0x54: {  	s1 =	ssub.s32 @!p0 $0x0, s1;
	[sflag:s0] =	ssyncset.done @!p0 $0x0  }
0x55: {  	[sflag:s0] =	ssyncadd.s32 @!p0 s1  }
0x56: {  	[bflag:$0x3] =	sbarrier.arrive $0xFFFF  }
0x57: {  	_ =	shalt  }

// kernel: kernel.10.cloned.1.call-start
scs
__scs_entry_jumppad:
0x0: {  	(pc) =	sbr.rel $0x88, $3  }
0x1: {  	(tag) =	ssettag $0x0;
	lr =	simm.s32 $0x1  }
0x2: {  	[smem:$0x3F9C] =	sst lr;
	_ =	strace $0xD0000000  }
0x3: {  	_ = 	snop  }
0x4: {  	_ = 	snop  }
0x5: {  	_ = 	snop  }
0x6: {  	_ = 	snop  }
0x7: {  	_ = 	snop  }
__scs_overlays_trampoline_lowered:
0x8: {  	[smem:$0x3FAB] =	sst s0  }
0x9: {  	[smem:$0x3FAC] =	sst s1  }
0xa: {  	[smem:$0x3FAD] =	sst s2  }
0xb: {  	[smem:$0x3FAE] =	sst s3  }
0xc: {  	[smem:$0x3FAF] =	sst s4  }
0xd: {  	[smem:$0x3FB0] =	sst s5  }
0xe: {  	[smem:$0x3FB1] =	sst s6  }
0xf: {  	[smem:$0x3FB2] =	sst s7  }
0x10: {  	[smem:$0x3FB3] =	sst s8  }
0x11: {  	[smem:$0x3FB4] =	sst s9;
	s0 =	simm.s32 @!p0 $0x0  }
0x12: {  	s1 =	sld [smem:$0x3F9A];
	s0 =	simm.s32 @p0 $0x1  }
0x13: {  	[smem:$0x3FB5] =	sst s0;
	s0 =	simm.s32 @!p1 $0x0  }
0x14: {  	s2 =	sld [smem:$0x3F99];
	s0 =	simm.s32 @p1 $0x1  }
0x15: {  	[smem:$0x3FB6] =	sst s0;
	s0 =	simm.s32 @!p2 $0x0  }
0x16: {  	s3 =	sld [smem:$0x3FDB];
	s0 =	simm.s32 @p2 $0x1  }
0x17: {  	s4 =	simm.s32 $0x1BF5;
	[smem:$0x3FB8] =	sst s0  }
0x18: {  	s0 =	sld [smem:$0x3F9B];
	_ =	swait.ge [sflag:s4], $0x0  }
0x19: {  	s7 =	sld [smem:$0x3F9C]  }
0x1a: {  	s8 =	sadd.s32 $0xFFFFE003, lr  }
0x1b: {  	s9 =	sadd.s32 $0xFFFFFEF7, lr;
	s5 =	simm.s32 $0xFFFFFFFF;
	p2 =	slt.u32 s8, $0xFFFFF086  }
0x1c: {  	p1 =	slt.u32 s9, $0xF7A;
	s5 =	simm.s32 @!p2 $0x0  }
0x1d: {  	s5 =	simm.s32 @p1 $0x1;
	p0 =	seq.s32 s7, s2  }
0x1e: {  	s7 =	smul.u32 @!p0 $0xF7A, s2;
	p2 =	seq.s32 @!p0 s5, $0x0  }
0x1f: {  	s9 =	smul.u32 $0xF7A, s1;
	s8 =	simm.s32 @!p0 $0x1BF5;
	p2 =	por !p2, p0  }
0x20: {  	[sflag:s8] =	ssyncset.s32 @!p0 $0xFFFFF086;
	s6 =	sadd.s32 @!p0 s3, s7;
	s7 =	simm.s32 @!p0 $0x108  }
0x21: {  	s3 =	sadd.s32 s3, s9;
	s6 =	sadd.s32 @!p0 $0x88, s6;
	s7 =	simm.s32 @p2 $0x1082  }
0x22: {  	[simem:s7], [sflag:s8] =	dma.local @!p0 [hbm:s6], $0xF7A  }
0x23: {  	s9 =	sor.u32 $0xD0000000, s2;
	s6 =	simm.s32 $0x108;
	_ =	swait.ge @!p0 [sflag:s8], $0x0  }
0x24: {  	s3 =	sadd.s32 $0x88, s3;
	s6 =	simm.s32 @!p1 $0x1082;
	[sflag:s4] =	ssyncset.s32 $0xFFFFF086  }
0x25: {  	[simem:s6], [sflag:s4] =	dma.local [hbm:s3], $0xF7A  }
0x26: {  	[smem:$0x3F9C] =	sst s1;
	(tag) =	ssettag s2;
	_ =	strace s9  }
0x27: {  	s1 =	sld [smem:$0x3FAC]  }
0x28: {  	s2 =	sld [smem:$0x3FAD]  }
0x29: {  	s4 =	sld [smem:$0x3FAF]  }
0x2a: {  	p0 =	seq.s32 s5, $0x0;
	s5 =	sld [smem:$0x3FB0]  }
0x2b: {  	s6 =	sld [smem:$0x3FB1]  }
0x2c: {  	s7 =	sld [smem:$0x3FB2]  }
0x2d: {  	s3 =	simm.s32 $0x108;
	s8 =	sld [smem:$0x3FB3]  }
0x2e: {  	s3 =	simm.s32 @!p0 $0x1082;
	s9 =	sld [smem:$0x3FB4]  }
0x2f: {  	lr =	sadd.s32 s0, s3;
	s0 =	sld [smem:$0x3FAB]  }
0x30: {  	s3 =	sld [smem:$0x3FAE]  }
0x31: {  	[smem:$0x3FB7] =	sst s10  }
0x32: {  	s10 =	sld [smem:$0x3FB5];
	_ =	sdelay $0x3  }
0x33: {  	p0 =	seq.s32 s10, $0x1;
	s10 =	sld [smem:$0x3FB7];
	_ =	sdelay $0x3  }
0x34: {  	[smem:$0x3FB7] =	sst s10  }
0x35: {  	s10 =	sld [smem:$0x3FB6];
	_ =	sdelay $0x3  }
0x36: {  	p1 =	seq.s32 s10, $0x1;
	s10 =	sld [smem:$0x3FB7];
	_ =	sdelay $0x3  }
0x37: {  	[smem:$0x3FB7] =	sst s10  }
0x38: {  	s10 =	sld [smem:$0x3FB8]  }
0x39: {  	_ = 	snop;
	(pc) =	sbr.ind lr, $3  }
0x3a: {  	_ = 	snop  }
0x3b: {  	_ = 	snop  }
0x3c: {  	p2 =	seq.s32 s10, $0x1;
	s10 =	sld [smem:$0x3FB7]  }
0x3d: {  	_ =	shalt  }
0x3e: {  	_ =	shalt  }
0x3f: {  	_ =	shalt  }
0x40: {  	_ =	shalt  }
0x41: {  	_ =	shalt  }
0x42: {  	_ =	shalt  }
0x43: {  	_ =	shalt  }
0x44: {  	_ =	shalt  }
0x45: {  	_ =	shalt  }
0x46: {  	_ =	shalt  }
0x47: {  	_ =	shalt  }
0x48: {  	_ =	shalt  }
0x49: {  	_ =	shalt  }
0x4a: {  	_ =	shalt  }
0x4b: {  	_ =	shalt  }
0x4c: {  	_ =	shalt  }
0x4d: {  	_ =	shalt  }
0x4e: {  	_ =	shalt  }
0x4f: {  	_ =	shalt  }
0x50: {  	_ =	shalt  }
0x51: {  	_ =	shalt  }
0x52: {  	_ =	shalt  }
0x53: {  	_ =	shalt  }
0x54: {  	_ =	shalt  }
0x55: {  	_ =	shalt  }
0x56: {  	_ =	shalt  }
0x57: {  	_ =	shalt  }
0x58: {  	_ =	shalt  }
0x59: {  	_ =	shalt  }
0x5a: {  	_ =	shalt  }
0x5b: {  	_ =	shalt  }
0x5c: {  	_ =	shalt  }
0x5d: {  	_ =	shalt  }
0x5e: {  	_ =	shalt  }
0x5f: {  	_ =	shalt  }
0x60: {  	_ =	shalt  }
0x61: {  	_ =	shalt  }
0x62: {  	_ =	shalt  }
0x63: {  	_ =	shalt  }
0x64: {  	_ =	shalt  }
0x65: {  	_ =	shalt  }
0x66: {  	_ =	shalt  }
0x67: {  	_ =	shalt  }
0x68: {  	_ =	shalt  }
0x69: {  	_ =	shalt  }
0x6a: {  	_ =	shalt  }
0x6b: {  	_ =	shalt  }
0x6c: {  	_ =	shalt  }
0x6d: {  	_ =	shalt  }
0x6e: {  	_ =	shalt  }
0x6f: {  	_ =	shalt  }
0x70: {  	_ =	shalt  }
0x71: {  	_ =	shalt  }
0x72: {  	_ =	shalt  }
0x73: {  	_ =	shalt  }
0x74: {  	_ =	shalt  }
0x75: {  	_ =	shalt  }
0x76: {  	_ =	shalt  }
0x77: {  	_ =	shalt  }
0x78: {  	_ =	shalt  }
0x79: {  	_ =	shalt  }
0x7a: {  	_ =	shalt  }
0x7b: {  	_ =	shalt  }
0x7c: {  	_ =	shalt  }
0x7d: {  	_ =	shalt  }
0x7e: {  	_ =	shalt  }
0x7f: {  	_ =	shalt  }
0x80: {  	_ =	shalt  }
0x81: {  	_ =	shalt  }
0x82: {  	_ =	shalt  }
0x83: {  	_ =	shalt  }
0x84: {  	_ =	shalt  }
0x85: {  	_ =	shalt  }
0x86: {  	_ =	shalt  }
0x87: {  	_ =	shalt  }
.Lfunc_end0:
.L_simem_size_0:
called_computation.2_lowered:
.L_overlay_start_0:
0x88: {  	s2 =	sld [smem:$0x3FD9]  }
0x89: {  	s3 =	sld [smem:$0x3FFE];
	_ =	sdelay $0x1  }
0x8a: {  	s1 =	srdreg.scid  }
0x8b: {  	s0 =	sand.u32 $0x1, s1  }
0x8c: {  	s16 =	sshll.u32 s0, $0xA;
	s2 =	sadd.s32 s3, s2  }
0x8d: {  	s2 =	sadd.s32 s2, s16  }
0x8e: {  	[smem:$0x3FC3] =	sst s2  }
0x8f: {  	_ = 	snop  }
0x90: {  	(tm) =	ssettm $0x1  }
0x91: {  	s17 =	sld [smem:$0x3FFB];
	_ =	sdelay $0x3  }
0x92: {  	_ =	strace s17  }
0x93: {  	s2 =	sld [smem:$0x3FFC];
	_ =	sdelay $0x3  }
0x94: {  	_ =	strace s2  }
0x95: {  	s2 =	sld [smem:$0x3FFD];
	_ =	sdelay $0x3  }
0x96: {  	_ =	strace s2  }
0x97: {  	_ =	strace $0x8FFFFFFF  }
0x98: {  	s18 =	sld [smem:$0x3FDB];
	_ =	sdelay $0x1  }
0x99: {  	s19 =	simm.s32 $_scs_section_size  }
0x9a: {  	s4 =	simm.s32 $_size__tile_overlayer_lowered;
	s5 =	simm.s32 $_tile_overlayer_lowered  }
0x9b: {  	s22 =	simm.s32 $0x1BFF;
	s21 =	sshll.u32 s5, $0x1;
	s2 =	sadd.s32 s19, s18  }
0x9c: {  	s6 =	simm.s32 $0x0;
	s20 =	sshll.u32 s4, $0x1;
	s4 =	sadd.s32 s21, s2  }
0x9d: {  	[timem:s6], [sflag:s22] =	dma.local [hbm:s4], s20  }
0x9e: {  	_ =	swait.ge [sflag:s22], s20  }
0x9f: {  	s3 =	ssub.s32 $0x0, s20;
	[sflag:s22] =	ssyncset.done $0x0  }
0xa0: {  	[sflag:s22] =	ssyncadd.s32 s3;
	_ =	sdelay $0x1  }
0xa1: {  	s23 =	simm.s32 $0x1B8B  }
0xa2: {  	_ =	swait.ge [sflag:s23], $0x1  }
0xa3: {  	[sflag:s23] =	ssyncset.done $0x0  }
0xa4: {  	s25 =	simm.s32 $0x1B8E;
	s24 =	sld [smem:$0x3FFE];
	[sflag:s23] =	ssyncadd.s32 $0xFFFFFFFF  }
0xa5: {  	s26 =	simm.s32 $execute0_lowered;
	[smem:$0x3FD2] =	sst s25  }
0xa6: {  	s4 =	sshll.u32 s26, $0x1;
	_ =	strace $0x8000004C;
	[dreg:$0x1] =	wrdreg $0xFFFFFFFF  }
0xa7: {  	s28 =	simm.s32 $_size_execute0_lowered;
	s2 =	sadd.s32 s2, s4;
	[dreg:$0x0] =	wrdreg $0x0  }
0xa8: {  	s4 =	sshll.u32 s28, $0x1;
	[dreg:$0x2] =	wrdreg s2  }
0xa9: {  	[dreg:$0x3] =	wrdreg s4  }
0xaa: {  	[dreg:$0x4] =	wrdreg $0xC0  }
0xab: {  	_ =	task [dreg:s6], $0x5FFFF  }
0xac: {  	[dreg:$0x1] =	wrdreg $0xFFFFFFFF  }
0xad: {  	[dreg:$0x0] =	wrdreg $0x60  }
0xae: {  	[dreg:$0x2] =	wrdreg s24  }
0xaf: {  	[dreg:$0x3] =	wrdreg $0x9  }
0xb0: {  	_ =	task.clear_ibuf [dreg:s6], $0x4FFFF;
	_ =	strace $0x9000004C  }
0xb1: {  	s29 =	simm.s32 $0x9;
	_ =	strace $0x8000004E  }
0xb2: {  	_ =	swait.ge [sflag:s29], $0x1  }
0xb3: {  	[sflag:s29] =	ssyncadd.s32 $0xFFFFFFFF  }
0xb4: {  	_ =	strace $0x9000004E  }
0xb5: {  	_ =	sfence  }
0xb6: {  	s30 =	sld [smem:$0x0];
	_ =	sdelay $0x2  }
0xb7: {  	s31 =	sshll.u32 s1, $0xD;
	s1 =	sshrl.u32 s1, $0x2  }
0xb8: {  	s3 =	sand.u32 $0x4000, s31;
	s1 =	sadd.s32 s1, s30  }
0xb9: {  	s0 =	sor.u32 s3, s0;
	s1 =	sshll.u32 s1, $0x11  }
0xba: {  	s0 =	sor.u32 s1, s0  }
0xbb: {  	s0 =	sadd.s32 $0x8F2B, s0  }
0xbc: {  	[sflag:s0] =	ssyncadd.remote.s32 $0x1  }
0xbd: {  	_ =	sfence.sel $0xFFFF  }
0xbe: {  	[dreg:$0x0] =	wrdreg $0xFFFFFFFF;
	(pc) =	sbr.abs _section_cstart, $3  }
0xbf: {  	[dreg:$0x1] =	wrdreg $0xFFFFFFFF  }
0xc0: {  	_ =	task.clear_ibuf [dreg:s6], $0x2FFFF;
	_ =	strace $0x9FFFFFFF  }
0xc1: {  	(tm) =	ssettm $0x7FFFFFFF  }
tec
execute0_lowered:
.L_overlay_start_1:
0x0: {  	(tag) =	ssettag $0x1  }
0x1: {  	s0 =	rddreg [dreg:$0x0]  }
0x2: {  	s1 =	srdreg.scid;
	s2 =	simm.s32 $0x0;
	s3 =	stileid.u32  }
0x3: {  	s18 =	simm.s32 $0x1;
	s19 =	simm.s32 $0x2;
	s20 =	simm.s32 $0x3  }
0x4: {  	s21 =	simm.s32 $0x4;
	s23 =	simm.s32 $0x880;
	s28 =	simm.s32 $0x2080  }
0x5: {  	s29 =	simm.s32 $0x2880;
	s30 =	simm.s32 $0x3080;
	s31 =	simm.s32 $0x3880  }
0x6: {  	s10 =	simm.s32 $0x5080;
	s11 =	simm.s32 $0x5880;
	s12 =	simm.s32 $0x6080  }
0x7: {  	s13 =	simm.s32 $0x6880;
	s14 =	simm.s32 $0x7080;
	s15 =	simm.s32 $0x7880  }
0x8: {  	s16 =	simm.s32 $0x8880;
	s17 =	simm.s32 $0x9080;
	s1 =	sand.u32 $0x1, s1  }
0x9: {  	[smem:$0x7FF] =	sst s2;
	s4 =	sshll.u32 s3, $0x8;
	s5 =	sshll.u32 s1, $0x7  }
0xa: {  	s3 =	sadd.s32 $0xA0400, s0;
	_ =	strace $0x8000004D;
	s4 =	sor.u32 s5, s4  }
0xb: {  	s1 =	ssub.s32 $0x2, s1;
	s5 =	sshll.u32 s4, $0x7;
	s4 =	sshrl.u32 s4, $0x3  }
0xc: {  	s24 =	sshrl.u32 s1, $0x1;
	s7 =	sadd.s32 s5, s0;
	s4 =	sadd.s32 s0, s4  }
0xd: {  	s1 =	ssub.s32 s1, s24;
	[dreg:$0x2] =	wrdreg s4;
	s25 =	sadd.s32 $0x200, s7  }
0xe: {  	s24 =	simm.s32 $0x1080;
	s6 =	sadd.s32 $0x1200, s7;
	[dreg:$0x3] =	wrdreg s25  }
0xf: {  	s5 =	sadd.s32 $0xA0600, s0;
	s8 =	sadd.s32 $0x2200, s7;
	[dreg:$0x4] =	wrdreg s6  }
0x10: {  	v2 =	vlaneseq.u32;
	s4 =	sadd.s32 $0xA0500, s0;
	s26 =	sadd.s32 $0x3200, s7;
	[dreg:$0x5] =	wrdreg s8  }
0x11: {  	vm0 =	vmmov $0xffff;
	v1 =	vshrl.u32 v2, $0x3;
	s7 =	smax.u32 s1, $0x1;
	s6 =	sadd.s32 $0xA0700, s0;
	[dreg:$0x6] =	wrdreg s26  }
0x12: {  	v0 =	vand.u32 $0x7, v2;
	v2 =	vor.u32 $0x8, v2;
	v1 =	vmul.u32 $0x8, v1;
	s25 =	simm.s32 $0x80;
	s26 =	simm.s32 $0x1880;
	s8 =	simm.s32 $0x4080  }
.LBB2_1:
0x13: {  	s22 =	rddreg [dreg:$0x2];
	s0 =	simm.s32 $0x5  }
0x14: {  	[tilespmem:s2], [sflag:$0x5] =	stream.linear.gather [hbm4b:s22+s2], $0x80, $0x38;
	[tilespmem:$0x10080] =	vst v63  }
0x15: {  	_ =	swait.ge [sflag:s0], $0x80  }
0x16: {  	[sflag:s0] =	ssyncset.done $0x0  }
0x17: {  	[sflag:s0] =	ssyncadd.s32 $0xFFFFFF80  }
0x18: {  	v3 =	vld [tilespmem:$0x0];
	_ =	sdelay $0x4  }
0x19: {  	v4 =	vshll.u32 v3, $0x3  }
0x1a: {  	v3 =	vand.u32 $0x7, v3;
	v4 =	vand.u32 $0xFFFFFFC0, v4  }
0x1b: {  	v3 =	vor.u32 v3, v4  }
0x1c: {  	v4 =	vperm.xlane v3, v0;
	_ =	sdelay $0x1  }
0x1d: {  	v4 =	vadd.s32 v1, v4;
	_ =	sdelay $0x4  }
0x1e: {  	[tilespmem:s25], [sflag:$0x1] =	stream.indirect_vreg.gather [hbm4b:s3+s2], $0x80, v4, vm0, $0xb8;
	[tilespmem:$0x10080] =	vst v63  }
0x1f: {  	v3 =	vperm.xlane v3, v2  }
0x20: {  	[tilespmem:s23], [sflag:$0x1] =	stream.indirect_vreg.gather [hbm4b:s4+s2], $0x80, v4, vm0, $0xb8;
	[tilespmem:$0x10080] =	vst v63  }
0x21: {  	v3 =	vadd.s32 v1, v3  }
0x22: {  	[tilespmem:s24], [sflag:$0x1] =	stream.indirect_vreg.gather [hbm4b:s5+s2], $0x80, v4, vm0, $0xb8;
	[tilespmem:$0x10080] =	vst v63  }
0x23: {  	_ = 	snop  }
0x24: {  	[tilespmem:s26], [sflag:$0x1] =	stream.indirect_vreg.gather [hbm4b:s6+s2], $0x80, v4, vm0, $0xb8;
	[tilespmem:$0x10080] =	vst v63  }
0x25: {  	_ = 	snop  }
0x26: {  	[tilespmem:s28], [sflag:$0x1] =	stream.indirect_vreg.gather [hbm4b:s3+s2], $0x80, v3, vm0, $0xb8;
	[tilespmem:$0x10080] =	vst v63  }
0x27: {  	_ = 	snop  }
0x28: {  	[tilespmem:s29], [sflag:$0x1] =	stream.indirect_vreg.gather [hbm4b:s4+s2], $0x80, v3, vm0, $0xb8;
	[tilespmem:$0x10080] =	vst v63  }
0x29: {  	_ = 	snop  }
0x2a: {  	[tilespmem:s30], [sflag:$0x1] =	stream.indirect_vreg.gather [hbm4b:s5+s2], $0x80, v3, vm0, $0xb8;
	[tilespmem:$0x10080] =	vst v63  }
0x2b: {  	_ = 	snop  }
0x2c: {  	[tilespmem:s31], [sflag:$0x1] =	stream.indirect_vreg.gather [hbm4b:s6+s2], $0x80, v3, vm0, $0xb8;
	[tilespmem:$0x10080] =	vst v63  }
0x2d: {  	v3 =	vld [tilespmem:$0x10];
	_ =	sdelay $0x4  }
0x2e: {  	v57 =	vshll.u32 v3, $0x3  }
0x2f: {  	v3 =	vand.u32 $0x7, v3;
	v4 =	vand.u32 $0xFFFFFFC0, v57  }
0x30: {  	v3 =	vor.u32 v3, v4  }
0x31: {  	v4 =	vperm.xlane v3, v0;
	_ =	sdelay $0x1  }
0x32: {  	v4 =	vadd.s32 v1, v4;
	_ =	sdelay $0x4  }
0x33: {  	[tilespmem:s8], [sflag:$0x1] =	stream.indirect_vreg.gather [hbm4b:s3+s2], $0x80, v4, vm0, $0xb8;
	[tilespmem:$0x10080] =	vst v63  }
0x34: {  	s1 =	simm.s32 $0x4880;
	v3 =	vperm.xlane v3, v2  }
0x35: {  	[tilespmem:s1], [sflag:$0x1] =	stream.indirect_vreg.gather [hbm4b:s4+s2], $0x80, v4, vm0, $0xb8;
	[tilespmem:$0x10080] =	vst v63  }
0x36: {  	v3 =	vadd.s32 v1, v3  }
0x37: {  	[tilespmem:s10], [sflag:$0x1] =	stream.indirect_vreg.gather [hbm4b:s5+s2], $0x80, v4, vm0, $0xb8;
	[tilespmem:$0x10080] =	vst v63  }
0x38: {  	_ = 	snop  }
0x39: {  	[tilespmem:s11], [sflag:$0x1] =	stream.indirect_vreg.gather [hbm4b:s6+s2], $0x80, v4, vm0, $0xb8;
	[tilespmem:$0x10080] =	vst v63  }
0x3a: {  	_ = 	snop  }
0x3b: {  	[tilespmem:s12], [sflag:$0x1] =	stream.indirect_vreg.gather [hbm4b:s3+s2], $0x80, v3, vm0, $0xb8;
	[tilespmem:$0x10080] =	vst v63  }
0x3c: {  	_ = 	snop  }
0x3d: {  	[tilespmem:s13], [sflag:$0x1] =	stream.indirect_vreg.gather [hbm4b:s4+s2], $0x80, v3, vm0, $0xb8;
	[tilespmem:$0x10080] =	vst v63  }
0x3e: {  	_ = 	snop  }
0x3f: {  	[tilespmem:s14], [sflag:$0x1] =	stream.indirect_vreg.gather [hbm4b:s5+s2], $0x80, v3, vm0, $0xb8;
	[tilespmem:$0x10080] =	vst v63  }
0x40: {  	_ = 	snop  }
0x41: {  	[tilespmem:s15], [sflag:$0x1] =	stream.indirect_vreg.gather [hbm4b:s6+s2], $0x80, v3, vm0, $0xb8;
	[tilespmem:$0x10080] =	vst v63  }
0x42: {  	v3 =	vld [tilespmem:$0x20];
	_ =	sdelay $0x4  }
0x43: {  	v58 =	vshll.u32 v3, $0x3  }
0x44: {  	v3 =	vand.u32 $0x7, v3;
	v4 =	vand.u32 $0xFFFFFFC0, v58  }
0x45: {  	v3 =	vor.u32 v3, v4  }
0x46: {  	v4 =	vperm.xlane v3, v0;
	_ =	sdelay $0x1  }
0x47: {  	v4 =	vadd.s32 v1, v4;
	_ =	sdelay $0x3  }
0x48: {  	s0 =	simm.s32 $0x8080  }
0x49: {  	[tilespmem:s0], [sflag:$0x2] =	stream.indirect_vreg.gather [hbm4b:s3+s2], $0x80, v4, vm0, $0xb8;
	[tilespmem:$0x10080] =	vst v63  }
0x4a: {  	v3 =	vperm.xlane v3, v2  }
0x4b: {  	[tilespmem:s16], [sflag:$0x2] =	stream.indirect_vreg.gather [hbm4b:s4+s2], $0x80, v4, vm0, $0xb8;
	[tilespmem:$0x10080] =	vst v63  }
0x4c: {  	v3 =	vadd.s32 v1, v3  }
0x4d: {  	[tilespmem:s17], [sflag:$0x2] =	stream.indirect_vreg.gather [hbm4b:s5+s2], $0x80, v4, vm0, $0xb8;
	[tilespmem:$0x10080] =	vst v63  }
0x4e: {  	s9 =	simm.s32 $0x9880  }
0x4f: {  	[tilespmem:s9], [sflag:$0x2] =	stream.indirect_vreg.gather [hbm4b:s6+s2], $0x80, v4, vm0, $0xb8;
	[tilespmem:$0x10080] =	vst v63  }
0x50: {  	s9 =	simm.s32 $0xA080  }
0x51: {  	[tilespmem:s9], [sflag:$0x2] =	stream.indirect_vreg.gather [hbm4b:s3+s2], $0x80, v3, vm0, $0xb8;
	[tilespmem:$0x10080] =	vst v63  }
0x52: {  	s22 =	simm.s32 $0xA880  }
0x53: {  	[tilespmem:s22], [sflag:$0x2] =	stream.indirect_vreg.gather [hbm4b:s4+s2], $0x80, v3, vm0, $0xb8;
	[tilespmem:$0x10080] =	vst v63  }
0x54: {  	s22 =	simm.s32 $0xB080  }
0x55: {  	[tilespmem:s22], [sflag:$0x2] =	stream.indirect_vreg.gather [hbm4b:s5+s2], $0x80, v3, vm0, $0xb8;
	[tilespmem:$0x10080] =	vst v63  }
0x56: {  	s22 =	simm.s32 $0xB880  }
0x57: {  	[tilespmem:s22], [sflag:$0x2] =	stream.indirect_vreg.gather [hbm4b:s6+s2], $0x80, v3, vm0, $0xb8;
	[tilespmem:$0x10080] =	vst v63  }
0x58: {  	v3 =	vld [tilespmem:$0x30];
	_ =	sdelay $0x4  }
0x59: {  	v59 =	vshll.u32 v3, $0x3  }
0x5a: {  	v3 =	vand.u32 $0x7, v3;
	v4 =	vand.u32 $0xFFFFFFC0, v59  }
0x5b: {  	v3 =	vor.u32 v3, v4  }
0x5c: {  	v4 =	vperm.xlane v3, v0;
	_ =	sdelay $0x1  }
0x5d: {  	v4 =	vadd.s32 v1, v4;
	_ =	sdelay $0x3  }
0x5e: {  	s22 =	simm.s32 $0xC080  }
0x5f: {  	[tilespmem:s22], [sflag:$0x2] =	stream.indirect_vreg.gather [hbm4b:s3+s2], $0x80, v4, vm0, $0xb8;
	[tilespmem:$0x10080] =	vst v63  }
0x60: {  	v3 =	vperm.xlane v3, v2;
	s22 =	simm.s32 $0xC880  }
0x61: {  	[tilespmem:s22], [sflag:$0x2] =	stream.indirect_vreg.gather [hbm4b:s4+s2], $0x80, v4, vm0, $0xb8;
	[tilespmem:$0x10080] =	vst v63  }
0x62: {  	v3 =	vadd.s32 v1, v3;
	s22 =	simm.s32 $0xD080  }
0x63: {  	[tilespmem:s22], [sflag:$0x2] =	stream.indirect_vreg.gather [hbm4b:s5+s2], $0x80, v4, vm0, $0xb8;
	[tilespmem:$0x10080] =	vst v63  }
0x64: {  	s22 =	simm.s32 $0xD880  }
0x65: {  	[tilespmem:s22], [sflag:$0x2] =	stream.indirect_vreg.gather [hbm4b:s6+s2], $0x80, v4, vm0, $0xb8;
	[tilespmem:$0x10080] =	vst v63  }
0x66: {  	s22 =	simm.s32 $0xE080  }
0x67: {  	[tilespmem:s22], [sflag:$0x2] =	stream.indirect_vreg.gather [hbm4b:s3+s2], $0x80, v3, vm0, $0xb8;
	[tilespmem:$0x10080] =	vst v63  }
0x68: {  	s22 =	simm.s32 $0xE880  }
0x69: {  	[tilespmem:s22], [sflag:$0x2] =	stream.indirect_vreg.gather [hbm4b:s4+s2], $0x80, v3, vm0, $0xb8;
	[tilespmem:$0x10080] =	vst v63  }
0x6a: {  	s22 =	simm.s32 $0xF080  }
0x6b: {  	[tilespmem:s22], [sflag:$0x2] =	stream.indirect_vreg.gather [hbm4b:s5+s2], $0x80, v3, vm0, $0xb8;
	[tilespmem:$0x10080] =	vst v63  }
0x6c: {  	s22 =	simm.s32 $0xF880  }
0x6d: {  	[tilespmem:s22], [sflag:$0x2] =	stream.indirect_vreg.gather [hbm4b:s6+s2], $0x80, v3, vm0, $0xb8;
	[tilespmem:$0x10080] =	vst v63  }
0x6e: {  	_ =	swait.ge [sflag:s18], $0x8000  }
0x6f: {  	[sflag:s18] =	ssyncset.done $0x0  }
0x70: {  	s22 =	rddreg [dreg:$0x3];
	[sflag:s18] =	ssyncadd.s32 $0xFFFF8000  }
0x71: {  	[hbm4b:s22+s2] =	stream.linear.scatter [tilespmem:s25], [sflag:$0x3], $0x8000, $0x38;
	[tilespmem:$0x10080] =	vst v63  }
0x72: {  	_ =	swait.ge [sflag:s19], $0x8000  }
0x73: {  	[sflag:s19] =	ssyncset.done $0x0  }
0x74: {  	s22 =	rddreg [dreg:$0x4];
	[sflag:s19] =	ssyncadd.s32 $0xFFFF8000  }
0x75: {  	[hbm4b:s22+s2] =	stream.linear.scatter [tilespmem:s0], [sflag:$0x4], $0x8000, $0x38;
	[tilespmem:$0x10080] =	vst v63  }
0x76: {  	_ =	swait.ge [sflag:s20], $0x8000  }
0x77: {  	[sflag:s20] =	ssyncset.done $0x0  }
0x78: {  	[sflag:s20] =	ssyncadd.s32 $0xFFFF8000  }
0x79: {  	v3 =	vld [tilespmem:$0x40];
	_ =	sdelay $0x4  }
0x7a: {  	v60 =	vshll.u32 v3, $0x3  }
0x7b: {  	v3 =	vand.u32 $0x7, v3;
	v4 =	vand.u32 $0xFFFFFFC0, v60  }
0x7c: {  	v3 =	vor.u32 v3, v4  }
0x7d: {  	v4 =	vperm.xlane v3, v0;
	_ =	sdelay $0x1  }
0x7e: {  	v4 =	vadd.s32 v1, v4;
	_ =	sdelay $0x4  }
0x7f: {  	[tilespmem:s25], [sflag:$0x1] =	stream.indirect_vreg.gather [hbm4b:s3+s2], $0x80, v4, vm0, $0xb8;
	[tilespmem:$0x10080] =	vst v63  }
0x80: {  	v3 =	vperm.xlane v3, v2  }
0x81: {  	[tilespmem:s23], [sflag:$0x1] =	stream.indirect_vreg.gather [hbm4b:s4+s2], $0x80, v4, vm0, $0xb8;
	[tilespmem:$0x10080] =	vst v63  }
0x82: {  	v3 =	vadd.s32 v1, v3  }
0x83: {  	[tilespmem:s24], [sflag:$0x1] =	stream.indirect_vreg.gather [hbm4b:s5+s2], $0x80, v4, vm0, $0xb8;
	[tilespmem:$0x10080] =	vst v63  }
0x84: {  	_ = 	snop  }
0x85: {  	[tilespmem:s26], [sflag:$0x1] =	stream.indirect_vreg.gather [hbm4b:s6+s2], $0x80, v4, vm0, $0xb8;
	[tilespmem:$0x10080] =	vst v63  }
0x86: {  	_ = 	snop  }
0x87: {  	[tilespmem:s28], [sflag:$0x1] =	stream.indirect_vreg.gather [hbm4b:s3+s2], $0x80, v3, vm0, $0xb8;
	[tilespmem:$0x10080] =	vst v63  }
0x88: {  	_ = 	snop  }
0x89: {  	[tilespmem:s29], [sflag:$0x1] =	stream.indirect_vreg.gather [hbm4b:s4+s2], $0x80, v3, vm0, $0xb8;
	[tilespmem:$0x10080] =	vst v63  }
0x8a: {  	_ = 	snop  }
0x8b: {  	[tilespmem:s30], [sflag:$0x1] =	stream.indirect_vreg.gather [hbm4b:s5+s2], $0x80, v3, vm0, $0xb8;
	[tilespmem:$0x10080] =	vst v63  }
0x8c: {  	_ = 	snop  }
0x8d: {  	[tilespmem:s31], [sflag:$0x1] =	stream.indirect_vreg.gather [hbm4b:s6+s2], $0x80, v3, vm0, $0xb8;
	[tilespmem:$0x10080] =	vst v63  }
0x8e: {  	v3 =	vld [tilespmem:$0x50];
	_ =	sdelay $0x4  }
0x8f: {  	v61 =	vshll.u32 v3, $0x3  }
0x90: {  	v3 =	vand.u32 $0x7, v3;
	v4 =	vand.u32 $0xFFFFFFC0, v61  }
0x91: {  	v3 =	vor.u32 v3, v4  }
0x92: {  	v4 =	vperm.xlane v3, v0;
	_ =	sdelay $0x1  }
0x93: {  	v4 =	vadd.s32 v1, v4;
	_ =	sdelay $0x4  }
0x94: {  	[tilespmem:s8], [sflag:$0x1] =	stream.indirect_vreg.gather [hbm4b:s3+s2], $0x80, v4, vm0, $0xb8;
	[tilespmem:$0x10080] =	vst v63  }
0x95: {  	v3 =	vperm.xlane v3, v2  }
0x96: {  	[tilespmem:s1], [sflag:$0x1] =	stream.indirect_vreg.gather [hbm4b:s4+s2], $0x80, v4, vm0, $0xb8;
	[tilespmem:$0x10080] =	vst v63  }
0x97: {  	v3 =	vadd.s32 v1, v3  }
0x98: {  	[tilespmem:s10], [sflag:$0x1] =	stream.indirect_vreg.gather [hbm4b:s5+s2], $0x80, v4, vm0, $0xb8;
	[tilespmem:$0x10080] =	vst v63  }
0x99: {  	_ = 	snop  }
0x9a: {  	[tilespmem:s11], [sflag:$0x1] =	stream.indirect_vreg.gather [hbm4b:s6+s2], $0x80, v4, vm0, $0xb8;
	[tilespmem:$0x10080] =	vst v63  }
0x9b: {  	_ = 	snop  }
0x9c: {  	[tilespmem:s12], [sflag:$0x1] =	stream.indirect_vreg.gather [hbm4b:s3+s2], $0x80, v3, vm0, $0xb8;
	[tilespmem:$0x10080] =	vst v63  }
0x9d: {  	_ = 	snop  }
0x9e: {  	[tilespmem:s13], [sflag:$0x1] =	stream.indirect_vreg.gather [hbm4b:s4+s2], $0x80, v3, vm0, $0xb8;
	[tilespmem:$0x10080] =	vst v63  }
0x9f: {  	_ = 	snop  }
0xa0: {  	[tilespmem:s14], [sflag:$0x1] =	stream.indirect_vreg.gather [hbm4b:s5+s2], $0x80, v3, vm0, $0xb8;
	[tilespmem:$0x10080] =	vst v63  }
0xa1: {  	_ = 	snop  }
0xa2: {  	[tilespmem:s15], [sflag:$0x1] =	stream.indirect_vreg.gather [hbm4b:s6+s2], $0x80, v3, vm0, $0xb8;
	[tilespmem:$0x10080] =	vst v63  }
0xa3: {  	_ =	swait.ge [sflag:s21], $0x8000  }
0xa4: {  	[sflag:s21] =	ssyncset.done $0x0  }
0xa5: {  	[sflag:s21] =	ssyncadd.s32 $0xFFFF8000  }
0xa6: {  	v3 =	vld [tilespmem:$0x60];
	_ =	sdelay $0x4  }
0xa7: {  	v62 =	vshll.u32 v3, $0x3  }
0xa8: {  	v3 =	vand.u32 $0x7, v3;
	v4 =	vand.u32 $0xFFFFFFC0, v62  }
0xa9: {  	v3 =	vor.u32 v3, v4  }
0xaa: {  	v4 =	vperm.xlane v3, v0;
	_ =	sdelay $0x1  }
0xab: {  	v4 =	vadd.s32 v1, v4;
	_ =	sdelay $0x4  }
0xac: {  	[tilespmem:s0], [sflag:$0x2] =	stream.indirect_vreg.gather [hbm4b:s3+s2], $0x80, v4, vm0, $0xb8;
	[tilespmem:$0x10080] =	vst v63  }
0xad: {  	v3 =	vperm.xlane v3, v2  }
0xae: {  	[tilespmem:s16], [sflag:$0x2] =	stream.indirect_vreg.gather [hbm4b:s4+s2], $0x80, v4, vm0, $0xb8;
	[tilespmem:$0x10080] =	vst v63  }
0xaf: {  	v3 =	vadd.s32 v1, v3  }
0xb0: {  	[tilespmem:s17], [sflag:$0x2] =	stream.indirect_vreg.gather [hbm4b:s5+s2], $0x80, v4, vm0, $0xb8;
	[tilespmem:$0x10080] =	vst v63  }
0xb1: {  	s22 =	simm.s32 $0x9880  }
0xb2: {  	[tilespmem:s22], [sflag:$0x2] =	stream.indirect_vreg.gather [hbm4b:s6+s2], $0x80, v4, vm0, $0xb8;
	[tilespmem:$0x10080] =	vst v63  }
0xb3: {  	_ = 	snop  }
0xb4: {  	[tilespmem:s9], [sflag:$0x2] =	stream.indirect_vreg.gather [hbm4b:s3+s2], $0x80, v3, vm0, $0xb8;
	[tilespmem:$0x10080] =	vst v63  }
0xb5: {  	s22 =	simm.s32 $0xA880  }
0xb6: {  	[tilespmem:s22], [sflag:$0x2] =	stream.indirect_vreg.gather [hbm4b:s4+s2], $0x80, v3, vm0, $0xb8;
	[tilespmem:$0x10080] =	vst v63  }
0xb7: {  	s9 =	simm.s32 $0xB080  }
0xb8: {  	[tilespmem:s9], [sflag:$0x2] =	stream.indirect_vreg.gather [hbm4b:s5+s2], $0x80, v3, vm0, $0xb8;
	[tilespmem:$0x10080] =	vst v63  }
0xb9: {  	s22 =	simm.s32 $0xB880  }
0xba: {  	[tilespmem:s22], [sflag:$0x2] =	stream.indirect_vreg.gather [hbm4b:s6+s2], $0x80, v3, vm0, $0xb8;
	[tilespmem:$0x10080] =	vst v63  }
0xbb: {  	v3 =	vld [tilespmem:$0x70];
	_ =	sdelay $0x4  }
0xbc: {  	v63 =	vshll.u32 v3, $0x3  }
0xbd: {  	v3 =	vand.u32 $0x7, v3;
	v4 =	vand.u32 $0xFFFFFFC0, v63  }
0xbe: {  	v3 =	vor.u32 v3, v4  }
0xbf: {  	v4 =	vperm.xlane v3, v0;
	_ =	sdelay $0x1  }
0xc0: {  	v4 =	vadd.s32 v1, v4;
	_ =	sdelay $0x3  }
0xc1: {  	s9 =	simm.s32 $0xC080  }
0xc2: {  	[tilespmem:s9], [sflag:$0x2] =	stream.indirect_vreg.gather [hbm4b:s3+s2], $0x80, v4, vm0, $0xb8;
	[tilespmem:$0x10080] =	vst v63  }
0xc3: {  	s22 =	simm.s32 $0xC880;
	v3 =	vperm.xlane v3, v2  }
0xc4: {  	[tilespmem:s22], [sflag:$0x2] =	stream.indirect_vreg.gather [hbm4b:s4+s2], $0x80, v4, vm0, $0xb8;
	[tilespmem:$0x10080] =	vst v63  }
0xc5: {  	v3 =	vadd.s32 v1, v3;
	s9 =	simm.s32 $0xD080  }
0xc6: {  	[tilespmem:s9], [sflag:$0x2] =	stream.indirect_vreg.gather [hbm4b:s5+s2], $0x80, v4, vm0, $0xb8;
	[tilespmem:$0x10080] =	vst v63  }
0xc7: {  	s22 =	simm.s32 $0xD880  }
0xc8: {  	[tilespmem:s22], [sflag:$0x2] =	stream.indirect_vreg.gather [hbm4b:s6+s2], $0x80, v4, vm0, $0xb8;
	[tilespmem:$0x10080] =	vst v63  }
0xc9: {  	s9 =	simm.s32 $0xE080  }
0xca: {  	[tilespmem:s9], [sflag:$0x2] =	stream.indirect_vreg.gather [hbm4b:s3+s2], $0x80, v3, vm0, $0xb8;
	[tilespmem:$0x10080] =	vst v63  }
0xcb: {  	s22 =	simm.s32 $0xE880  }
0xcc: {  	[tilespmem:s22], [sflag:$0x2] =	stream.indirect_vreg.gather [hbm4b:s4+s2], $0x80, v3, vm0, $0xb8;
	[tilespmem:$0x10080] =	vst v63  }
0xcd: {  	s9 =	simm.s32 $0xF080  }
0xce: {  	[tilespmem:s9], [sflag:$0x2] =	stream.indirect_vreg.gather [hbm4b:s5+s2], $0x80, v3, vm0, $0xb8;
	[tilespmem:$0x10080] =	vst v63  }
0xcf: {  	s22 =	simm.s32 $0xF880  }
0xd0: {  	[tilespmem:s22], [sflag:$0x2] =	stream.indirect_vreg.gather [hbm4b:s6+s2], $0x80, v3, vm0, $0xb8;
	[tilespmem:$0x10080] =	vst v63  }
0xd1: {  	_ =	swait.ge [sflag:s18], $0x8000  }
0xd2: {  	[sflag:s18] =	ssyncset.done $0x0  }
0xd3: {  	s1 =	rddreg [dreg:$0x5];
	[sflag:s18] =	ssyncadd.s32 $0xFFFF8000  }
0xd4: {  	[hbm4b:s1+s2] =	stream.linear.scatter [tilespmem:s25], [sflag:$0x3], $0x8000, $0x38;
	[tilespmem:$0x10080] =	vst v63  }
0xd5: {  	_ =	swait.ge [sflag:s19], $0x8000  }
0xd6: {  	[sflag:s19] =	ssyncset.done $0x0  }
0xd7: {  	s9 =	rddreg [dreg:$0x6];
	[sflag:s19] =	ssyncadd.s32 $0xFFFF8000  }
0xd8: {  	[hbm4b:s9+s2] =	stream.linear.scatter [tilespmem:s0], [sflag:$0x4], $0x8000, $0x38;
	[tilespmem:$0x10080] =	vst v63  }
0xd9: {  	p0 =	sne.s32 s7, $0x1;
	_ =	swait.ge [sflag:s20], $0x8000  }
.Ltmp0:
0xda: {  	[sflag:s20] =	ssyncset.done $0x0;
	(pc) =	sbr.rel @p0 .LBB2_1-.Ltmp0, $4  }
0xdb: {  	[sflag:s20] =	ssyncadd.s32 $0xFFFF8000  }
0xdc: {  	_ =	swait.ge [sflag:s21], $0x8000  }
0xdd: {  	[sflag:s21] =	ssyncset.done $0x0  }
0xde: {  	s7 =	sadd.s32 $0xFFFFFFFF, s7;
	[sflag:s21] =	ssyncadd.s32 $0xFFFF8000  }
0xdf: {  	_ =	sfence.sel $0x180000  }
0xe0: {  	[bflag:$0x0] =	sbarrier.arrive $0xFFFF  }
0xe1: {  	_ =	strace $0x9000004D  }
0xe2: {  	s0 =	stileid.u32;
	[bflag:$0x2] =	sbarrier.arrive $0xFFFF  }
0xe3: {  	p0 =	sne.s32 s0, $0x0;
	s0 =	rddreg [dreg:$0x1]  }
0xe4: {  	s0 =	sadd.s32 @!p0 $0x100000, s0  }
0xe5: {  	[sflag:s0] =	ssyncadd.tile.s32 @!p0 $0x1;
	_ =	shalt  }
.Lfunc_end2:
_tile_overlayer_lowered:
.L_overlay_start_2:
0xe6: {  	(tag) =	ssettag $0x2  }
0xe7: {  	s0 =	rddreg [dreg:$0x0];
	s2 =	stileid.u32  }
0xe8: {  	s1 =	rddreg [dreg:$0x1];
	p0 =	sne.s32 s2, $0x0  }
0xe9: {  	s3 =	rddreg [dreg:$0x2];
	[bflag:$0x3] =	sbarrier.arrive $0xFFFF;
	s2 =	simm.s32 @!p0 $0x1C05  }
0xea: {  	[timem:s3], [sflag:s2] =	dma.local @!p0 [hbm:s0], s1  }
0xeb: {  	s0 =	simm.s32 @!p0 $0x5  }
0xec: {  	_ =	swait.ge @!p0 [sflag:s0], s1  }
0xed: {  	s1 =	ssub.s32 @!p0 $0x0, s1;
	[sflag:s0] =	ssyncset.done @!p0 $0x0  }
0xee: {  	[sflag:s0] =	ssyncadd.s32 @!p0 s1  }
0xef: {  	[bflag:$0x3] =	sbarrier.arrive $0xFFFF  }
0xf0: {  	_ =	shalt  }

// kernel: kernel.7.cloned.1.call-start
scs
__scs_entry_jumppad:
0x0: {  	(pc) =	sbr.rel $0x88, $3  }
0x1: {  	(tag) =	ssettag $0x0;
	lr =	simm.s32 $0x1  }
0x2: {  	[smem:$0x3F9C] =	sst lr;
	_ =	strace $0xD0000000  }
0x3: {  	_ = 	snop  }
0x4: {  	_ = 	snop  }
0x5: {  	_ = 	snop  }
0x6: {  	_ = 	snop  }
0x7: {  	_ = 	snop  }
__scs_overlays_trampoline_lowered:
0x8: {  	[smem:$0x3FAB] =	sst s0  }
0x9: {  	[smem:$0x3FAC] =	sst s1  }
0xa: {  	[smem:$0x3FAD] =	sst s2  }
0xb: {  	[smem:$0x3FAE] =	sst s3  }
0xc: {  	[smem:$0x3FAF] =	sst s4  }
0xd: {  	[smem:$0x3FB0] =	sst s5  }
0xe: {  	[smem:$0x3FB1] =	sst s6  }
0xf: {  	[smem:$0x3FB2] =	sst s7  }
0x10: {  	[smem:$0x3FB3] =	sst s8  }
0x11: {  	[smem:$0x3FB4] =	sst s9;
	s0 =	simm.s32 @!p0 $0x0  }
0x12: {  	s1 =	sld [smem:$0x3F9A];
	s0 =	simm.s32 @p0 $0x1  }
0x13: {  	[smem:$0x3FB5] =	sst s0;
	s0 =	simm.s32 @!p1 $0x0  }
0x14: {  	s2 =	sld [smem:$0x3F99];
	s0 =	simm.s32 @p1 $0x1  }
0x15: {  	[smem:$0x3FB6] =	sst s0;
	s0 =	simm.s32 @!p2 $0x0  }
0x16: {  	s3 =	sld [smem:$0x3FDB];
	s0 =	simm.s32 @p2 $0x1  }
0x17: {  	s4 =	simm.s32 $0x1BF5;
	[smem:$0x3FB8] =	sst s0  }
0x18: {  	s0 =	sld [smem:$0x3F9B];
	_ =	swait.ge [sflag:s4], $0x0  }
0x19: {  	s7 =	sld [smem:$0x3F9C]  }
0x1a: {  	s8 =	sadd.s32 $0xFFFFE003, lr  }
0x1b: {  	s9 =	sadd.s32 $0xFFFFFEF7, lr;
	s5 =	simm.s32 $0xFFFFFFFF;
	p2 =	slt.u32 s8, $0xFFFFF086  }
0x1c: {  	p1 =	slt.u32 s9, $0xF7A;
	s5 =	simm.s32 @!p2 $0x0  }
0x1d: {  	s5 =	simm.s32 @p1 $0x1;
	p0 =	seq.s32 s7, s2  }
0x1e: {  	s7 =	smul.u32 @!p0 $0xF7A, s2;
	p2 =	seq.s32 @!p0 s5, $0x0  }
0x1f: {  	s9 =	smul.u32 $0xF7A, s1;
	s8 =	simm.s32 @!p0 $0x1BF5;
	p2 =	por !p2, p0  }
0x20: {  	[sflag:s8] =	ssyncset.s32 @!p0 $0xFFFFF086;
	s6 =	sadd.s32 @!p0 s3, s7;
	s7 =	simm.s32 @!p0 $0x108  }
0x21: {  	s3 =	sadd.s32 s3, s9;
	s6 =	sadd.s32 @!p0 $0x88, s6;
	s7 =	simm.s32 @p2 $0x1082  }
0x22: {  	[simem:s7], [sflag:s8] =	dma.local @!p0 [hbm:s6], $0xF7A  }
0x23: {  	s9 =	sor.u32 $0xD0000000, s2;
	s6 =	simm.s32 $0x108;
	_ =	swait.ge @!p0 [sflag:s8], $0x0  }
0x24: {  	s3 =	sadd.s32 $0x88, s3;
	s6 =	simm.s32 @!p1 $0x1082;
	[sflag:s4] =	ssyncset.s32 $0xFFFFF086  }
0x25: {  	[simem:s6], [sflag:s4] =	dma.local [hbm:s3], $0xF7A  }
0x26: {  	[smem:$0x3F9C] =	sst s1;
	(tag) =	ssettag s2;
	_ =	strace s9  }
0x27: {  	s1 =	sld [smem:$0x3FAC]  }
0x28: {  	s2 =	sld [smem:$0x3FAD]  }
0x29: {  	s4 =	sld [smem:$0x3FAF]  }
0x2a: {  	p0 =	seq.s32 s5, $0x0;
	s5 =	sld [smem:$0x3FB0]  }
0x2b: {  	s6 =	sld [smem:$0x3FB1]  }
0x2c: {  	s7 =	sld [smem:$0x3FB2]  }
0x2d: {  	s3 =	simm.s32 $0x108;
	s8 =	sld [smem:$0x3FB3]  }
0x2e: {  	s3 =	simm.s32 @!p0 $0x1082;
	s9 =	sld [smem:$0x3FB4]  }
0x2f: {  	lr =	sadd.s32 s0, s3;
	s0 =	sld [smem:$0x3FAB]  }
0x30: {  	s3 =	sld [smem:$0x3FAE]  }
0x31: {  	[smem:$0x3FB7] =	sst s10  }
0x32: {  	s10 =	sld [smem:$0x3FB5];
	_ =	sdelay $0x3  }
0x33: {  	p0 =	seq.s32 s10, $0x1;
	s10 =	sld [smem:$0x3FB7];
	_ =	sdelay $0x3  }
0x34: {  	[smem:$0x3FB7] =	sst s10  }
0x35: {  	s10 =	sld [smem:$0x3FB6];
	_ =	sdelay $0x3  }
0x36: {  	p1 =	seq.s32 s10, $0x1;
	s10 =	sld [smem:$0x3FB7];
	_ =	sdelay $0x3  }
0x37: {  	[smem:$0x3FB7] =	sst s10  }
0x38: {  	s10 =	sld [smem:$0x3FB8]  }
0x39: {  	_ = 	snop;
	(pc) =	sbr.ind lr, $3  }
0x3a: {  	_ = 	snop  }
0x3b: {  	_ = 	snop  }
0x3c: {  	p2 =	seq.s32 s10, $0x1;
	s10 =	sld [smem:$0x3FB7]  }
0x3d: {  	_ =	shalt  }
0x3e: {  	_ =	shalt  }
0x3f: {  	_ =	shalt  }
0x40: {  	_ =	shalt  }
0x41: {  	_ =	shalt  }
0x42: {  	_ =	shalt  }
0x43: {  	_ =	shalt  }
0x44: {  	_ =	shalt  }
0x45: {  	_ =	shalt  }
0x46: {  	_ =	shalt  }
0x47: {  	_ =	shalt  }
0x48: {  	_ =	shalt  }
0x49: {  	_ =	shalt  }
0x4a: {  	_ =	shalt  }
0x4b: {  	_ =	shalt  }
0x4c: {  	_ =	shalt  }
0x4d: {  	_ =	shalt  }
0x4e: {  	_ =	shalt  }
0x4f: {  	_ =	shalt  }
0x50: {  	_ =	shalt  }
0x51: {  	_ =	shalt  }
0x52: {  	_ =	shalt  }
0x53: {  	_ =	shalt  }
0x54: {  	_ =	shalt  }
0x55: {  	_ =	shalt  }
0x56: {  	_ =	shalt  }
0x57: {  	_ =	shalt  }
0x58: {  	_ =	shalt  }
0x59: {  	_ =	shalt  }
0x5a: {  	_ =	shalt  }
0x5b: {  	_ =	shalt  }
0x5c: {  	_ =	shalt  }
0x5d: {  	_ =	shalt  }
0x5e: {  	_ =	shalt  }
0x5f: {  	_ =	shalt  }
0x60: {  	_ =	shalt  }
0x61: {  	_ =	shalt  }
0x62: {  	_ =	shalt  }
0x63: {  	_ =	shalt  }
0x64: {  	_ =	shalt  }
0x65: {  	_ =	shalt  }
0x66: {  	_ =	shalt  }
0x67: {  	_ =	shalt  }
0x68: {  	_ =	shalt  }
0x69: {  	_ =	shalt  }
0x6a: {  	_ =	shalt  }
0x6b: {  	_ =	shalt  }
0x6c: {  	_ =	shalt  }
0x6d: {  	_ =	shalt  }
0x6e: {  	_ =	shalt  }
0x6f: {  	_ =	shalt  }
0x70: {  	_ =	shalt  }
0x71: {  	_ =	shalt  }
0x72: {  	_ =	shalt  }
0x73: {  	_ =	shalt  }
0x74: {  	_ =	shalt  }
0x75: {  	_ =	shalt  }
0x76: {  	_ =	shalt  }
0x77: {  	_ =	shalt  }
0x78: {  	_ =	shalt  }
0x79: {  	_ =	shalt  }
0x7a: {  	_ =	shalt  }
0x7b: {  	_ =	shalt  }
0x7c: {  	_ =	shalt  }
0x7d: {  	_ =	shalt  }
0x7e: {  	_ =	shalt  }
0x7f: {  	_ =	shalt  }
0x80: {  	_ =	shalt  }
0x81: {  	_ =	shalt  }
0x82: {  	_ =	shalt  }
0x83: {  	_ =	shalt  }
0x84: {  	_ =	shalt  }
0x85: {  	_ =	shalt  }
0x86: {  	_ =	shalt  }
0x87: {  	_ =	shalt  }
.Lfunc_end0:
.L_simem_size_0:
called_computation.1_lowered:
.L_overlay_start_0:
0x88: {  	s2 =	sld [smem:$0x3FD9]  }
0x89: {  	s3 =	sld [smem:$0x3FFE];
	_ =	sdelay $0x1  }
0x8a: {  	s1 =	srdreg.scid  }
0x8b: {  	s0 =	sand.u32 $0x1, s1  }
0x8c: {  	s14 =	sshll.u32 s0, $0xA;
	s2 =	sadd.s32 s3, s2  }
0x8d: {  	s2 =	sadd.s32 s2, s14  }
0x8e: {  	[smem:$0x3FC3] =	sst s2  }
0x8f: {  	_ = 	snop  }
0x90: {  	s2 =	sld [smem:$0x3FD0];
	_ =	sdelay $0x2  }
0x91: {  	s4 =	simm.s32 $0xA;
	s5 =	simm.s32 $0x10;
	s15 =	sld [smem:$0x3FC9]  }
0x92: {  	[smem:s5], [sflag:s4] =	dma.local [hbm:s2], $0x1  }
0x93: {  	_ =	swait.eq [sflag:s4], $0x1  }
0x94: {  	[sflag:s4] =	ssyncset.done $0x0  }
0x95: {  	[sflag:s4] =	ssyncadd.s32 $0xFFFFFFFF  }
0x96: {  	s16 =	sld [smem:$0x10];
	(tm) =	ssettm $0x1  }
0x97: {  	s17 =	sld [smem:$0x3FFB];
	_ =	sdelay $0x3  }
0x98: {  	_ =	strace s17  }
0x99: {  	s4 =	sld [smem:$0x3FFC];
	_ =	sdelay $0x3  }
0x9a: {  	_ =	strace s4  }
0x9b: {  	s4 =	sld [smem:$0x3FFD];
	_ =	sdelay $0x3  }
0x9c: {  	_ =	strace s4  }
0x9d: {  	_ =	strace $0x8FFFFFFF  }
0x9e: {  	s18 =	sld [smem:$0x3FDB];
	_ =	sdelay $0x1  }
0x9f: {  	s19 =	simm.s32 $_scs_section_size  }
0xa0: {  	s6 =	simm.s32 $_size__tile_overlayer_lowered;
	s7 =	simm.s32 $_tile_overlayer_lowered  }
0xa1: {  	s22 =	simm.s32 $0x1BFF;
	s21 =	sshll.u32 s7, $0x1;
	s4 =	sadd.s32 s19, s18  }
0xa2: {  	s8 =	simm.s32 $0x0;
	s20 =	sshll.u32 s6, $0x1;
	s6 =	sadd.s32 s21, s4  }
0xa3: {  	[timem:s8], [sflag:s22] =	dma.local [hbm:s6], s20  }
0xa4: {  	_ =	swait.ge [sflag:s22], s20  }
0xa5: {  	s5 =	ssub.s32 $0x0, s20;
	[sflag:s22] =	ssyncset.done $0x0  }
0xa6: {  	[sflag:s22] =	ssyncadd.s32 s5;
	_ =	sdelay $0x1  }
0xa7: {  	s23 =	simm.s32 $0x1B8B  }
0xa8: {  	_ =	swait.ge [sflag:s23], $0x1  }
0xa9: {  	[sflag:s23] =	ssyncset.done $0x0  }
0xaa: {  	s25 =	simm.s32 $0x1B8E;
	s24 =	sld [smem:$0x3FFE];
	[sflag:s23] =	ssyncadd.s32 $0xFFFFFFFF  }
0xab: {  	s26 =	simm.s32 $execute0_lowered;
	[smem:$0x3FD2] =	sst s25  }
0xac: {  	s6 =	sshll.u32 s26, $0x1;
	_ =	strace $0x80000049;
	[dreg:$0x1] =	wrdreg $0xFFFFFFFF  }
0xad: {  	s28 =	simm.s32 $_size_execute0_lowered;
	s4 =	sadd.s32 s4, s6;
	[dreg:$0x0] =	wrdreg $0x0  }
0xae: {  	s6 =	sshll.u32 s28, $0x1;
	[dreg:$0x2] =	wrdreg s4  }
0xaf: {  	[dreg:$0x3] =	wrdreg s6  }
0xb0: {  	[dreg:$0x4] =	wrdreg $0xC0  }
0xb1: {  	_ =	task [dreg:s8], $0x5FFFF  }
0xb2: {  	[dreg:$0x1] =	wrdreg $0xFFFFFFFF  }
0xb3: {  	[dreg:$0x0] =	wrdreg $0x60  }
0xb4: {  	[dreg:$0x2] =	wrdreg s15  }
0xb5: {  	[dreg:$0x3] =	wrdreg s16  }
0xb6: {  	[dreg:$0x4] =	wrdreg s24  }
0xb7: {  	[dreg:$0x5] =	wrdreg $0x9  }
0xb8: {  	_ =	task.clear_ibuf [dreg:s8], $0x6FFFF;
	_ =	strace $0x90000049  }
0xb9: {  	s29 =	simm.s32 $0x9;
	_ =	strace $0x8000004B  }
0xba: {  	_ =	swait.ge [sflag:s29], $0x1  }
0xbb: {  	[sflag:s29] =	ssyncadd.s32 $0xFFFFFFFF  }
0xbc: {  	_ =	strace $0x9000004B  }
0xbd: {  	_ =	sfence  }
0xbe: {  	s30 =	sld [smem:$0x0];
	_ =	sdelay $0x2  }
0xbf: {  	s31 =	sshll.u32 s1, $0xD;
	s1 =	sshrl.u32 s1, $0x2  }
0xc0: {  	s3 =	sand.u32 $0x4000, s31;
	s1 =	sadd.s32 s1, s30  }
0xc1: {  	s0 =	sor.u32 s3, s0;
	s1 =	sshll.u32 s1, $0x11  }
0xc2: {  	s0 =	sor.u32 s1, s0  }
0xc3: {  	s0 =	sadd.s32 $0x8F2B, s0  }
0xc4: {  	[sflag:s0] =	ssyncadd.remote.s32 $0x1  }
0xc5: {  	_ =	sfence.sel $0xFFFF  }
0xc6: {  	[dreg:$0x0] =	wrdreg $0xFFFFFFFF;
	(pc) =	sbr.abs _section_cstart, $3  }
0xc7: {  	[dreg:$0x1] =	wrdreg $0xFFFFFFFF  }
0xc8: {  	_ =	task.clear_ibuf [dreg:s8], $0x2FFFF;
	_ =	strace $0x9FFFFFFF  }
0xc9: {  	(tm) =	ssettm $0x7FFFFFFF  }
tec
execute0_lowered:
.L_overlay_start_1:
0x0: {  	(tag) =	ssettag $0x1  }
0x1: {  	s1 =	rddreg [dreg:$0x0]  }
0x2: {  	s0 =	rddreg [dreg:$0x1];
	s2 =	srdreg.scid  }
0x3: {  	s3 =	stileid.u32;
	s4 =	rddreg [dreg:$0x2]  }
0x4: {  	s28 =	simm.s32 $0x2;
	s29 =	simm.s32 $0x3;
	s31 =	simm.s32 $0x4  }
0x5: {  	s30 =	simm.s32 $0x900;
	s10 =	simm.s32 $0x1100;
	s11 =	simm.s32 $0x1900  }
0x6: {  	s12 =	simm.s32 $0x2100;
	s13 =	simm.s32 $0x2900;
	s14 =	simm.s32 $0x3100  }
0x7: {  	s15 =	simm.s32 $0x3900;
	s16 =	simm.s32 $0x4100;
	s17 =	simm.s32 $0x4900  }
0x8: {  	s18 =	simm.s32 $0x5100;
	s19 =	simm.s32 $0x5900;
	s20 =	simm.s32 $0x6100  }
0x9: {  	s21 =	simm.s32 $0x6900;
	s2 =	sand.u32 $0x1, s2;
	s5 =	sshll.u32 s3, $0x1  }
0xa: {  	s9 =	simm.s32 $0x9900;
	s3 =	simm.s32 $0x0;
	s5 =	sor.u32 s2, s5  }
0xb: {  	s4 =	sadd.s32 $0x200, s4;
	s2 =	ssub.s32 $0x2, s2;
	s6 =	smul.u32 $0x14, s5  }
0xc: {  	[smem:$0x7FF] =	sst s3;
	s7 =	smul.u32 $0x28000, s5;
	s8 =	sshrl.u32 s2, $0x1  }
0xd: {  	_ =	strace $0x8000004A;
	s5 =	smul.u32 $0x5000, s5;
	s2 =	ssub.s32 s2, s8  }
0xe: {  	s8 =	simm.s32 $0x1;
	s0 =	sadd.s32 s0, s6;
	s22 =	sshrl.u32 s7, $0x3  }
0xf: {  	s23 =	sadd.s32 s4, s5;
	s5 =	sadd.s32 $0x200, s1;
	[dreg:$0x4] =	wrdreg s0  }
0x10: {  	s7 =	smax.u32 s2, $0x1;
	s6 =	sadd.s32 s4, s22;
	[dreg:$0x5] =	wrdreg s23  }
0x11: {  	s4 =	sadd.s32 $0x100, s1;
	s22 =	simm.s32 $0x7100;
	s24 =	sadd.s32 $0x1400, s6  }
0x12: {  	v2 =	vlaneseq.u32;
	s23 =	simm.s32 $0x7900;
	s25 =	sadd.s32 $0x2800, s6;
	[dreg:$0x6] =	wrdreg s24  }
0x13: {  	vm0 =	vmmov $0xffff;
	v1 =	vshrl.u32 v2, $0x3;
	s26 =	sadd.s32 $0x3C00, s6;
	s6 =	sadd.s32 $0x300, s1;
	[dreg:$0x7] =	wrdreg s25  }
0x14: {  	v0 =	vand.u32 $0x7, v2;
	v2 =	vor.u32 $0x8, v2;
	v1 =	vmul.u32 $0x8, v1;
	[dreg:$0x8] =	wrdreg s26;
	s24 =	simm.s32 $0x8100;
	s25 =	simm.s32 $0x8900  }
.LBB2_1:
0x15: {  	s2 =	rddreg [dreg:$0x4];
	s0 =	simm.s32 $0x5  }
0x16: {  	[tilespmem:s3], [sflag:$0x5] =	stream.linear.gather [hbm4b:s2+s3], $0xA0, $0x38;
	[tilespmem:$0x14100] =	vst v63  }
0x17: {  	_ =	swait.ge [sflag:s0], $0xA0  }
0x18: {  	[sflag:s0] =	ssyncset.done $0x0  }
0x19: {  	[sflag:s0] =	ssyncadd.s32 $0xFFFFFF60  }
0x1a: {  	v3 =	vld [tilespmem:$0x0];
	_ =	sdelay $0x4  }
0x1b: {  	v4 =	vshll.u32 v3, $0x3  }
0x1c: {  	v3 =	vand.u32 $0x7, v3;
	v4 =	vand.u32 $0xFFFFFFC0, v4  }
0x1d: {  	v3 =	vor.u32 v3, v4  }
0x1e: {  	v4 =	vperm.xlane v3, v0;
	_ =	sdelay $0x1  }
0x1f: {  	v4 =	vadd.s32 v1, v4;
	_ =	sdelay $0x3  }
0x20: {  	s26 =	simm.s32 $0x100  }
0x21: {  	[tilespmem:s26], [sflag:$0x1] =	stream.indirect_vreg.gather [hbm4b:s1+s3], $0x80, v4, vm0, $0xb8;
	[tilespmem:$0x14100] =	vst v63  }
0x22: {  	v3 =	vperm.xlane v3, v2  }
0x23: {  	[tilespmem:s30], [sflag:$0x1] =	stream.indirect_vreg.gather [hbm4b:s4+s3], $0x80, v4, vm0, $0xb8;
	[tilespmem:$0x14100] =	vst v63  }
0x24: {  	v3 =	vadd.s32 v1, v3  }
0x25: {  	[tilespmem:s10], [sflag:$0x1] =	stream.indirect_vreg.gather [hbm4b:s5+s3], $0x80, v4, vm0, $0xb8;
	[tilespmem:$0x14100] =	vst v63  }
0x26: {  	_ = 	snop  }
0x27: {  	[tilespmem:s11], [sflag:$0x1] =	stream.indirect_vreg.gather [hbm4b:s6+s3], $0x80, v4, vm0, $0xb8;
	[tilespmem:$0x14100] =	vst v63  }
0x28: {  	_ = 	snop  }
0x29: {  	[tilespmem:s12], [sflag:$0x1] =	stream.indirect_vreg.gather [hbm4b:s1+s3], $0x80, v3, vm0, $0xb8;
	[tilespmem:$0x14100] =	vst v63  }
0x2a: {  	_ = 	snop  }
0x2b: {  	[tilespmem:s13], [sflag:$0x1] =	stream.indirect_vreg.gather [hbm4b:s4+s3], $0x80, v3, vm0, $0xb8;
	[tilespmem:$0x14100] =	vst v63  }
0x2c: {  	_ = 	snop  }
0x2d: {  	[tilespmem:s14], [sflag:$0x1] =	stream.indirect_vreg.gather [hbm4b:s5+s3], $0x80, v3, vm0, $0xb8;
	[tilespmem:$0x14100] =	vst v63  }
0x2e: {  	_ = 	snop  }
0x2f: {  	[tilespmem:s15], [sflag:$0x1] =	stream.indirect_vreg.gather [hbm4b:s6+s3], $0x80, v3, vm0, $0xb8;
	[tilespmem:$0x14100] =	vst v63  }
0x30: {  	v3 =	vld [tilespmem:$0x10];
	_ =	sdelay $0x4  }
0x31: {  	v53 =	vshll.u32 v3, $0x3  }
0x32: {  	v3 =	vand.u32 $0x7, v3;
	v4 =	vand.u32 $0xFFFFFFC0, v53  }
0x33: {  	v3 =	vor.u32 v3, v4  }
0x34: {  	v4 =	vperm.xlane v3, v0;
	_ =	sdelay $0x1  }
0x35: {  	v4 =	vadd.s32 v1, v4;
	_ =	sdelay $0x4  }
0x36: {  	[tilespmem:s16], [sflag:$0x1] =	stream.indirect_vreg.gather [hbm4b:s1+s3], $0x80, v4, vm0, $0xb8;
	[tilespmem:$0x14100] =	vst v63  }
0x37: {  	v3 =	vperm.xlane v3, v2  }
0x38: {  	[tilespmem:s17], [sflag:$0x1] =	stream.indirect_vreg.gather [hbm4b:s4+s3], $0x80, v4, vm0, $0xb8;
	[tilespmem:$0x14100] =	vst v63  }
0x39: {  	v3 =	vadd.s32 v1, v3  }
0x3a: {  	[tilespmem:s18], [sflag:$0x1] =	stream.indirect_vreg.gather [hbm4b:s5+s3], $0x80, v4, vm0, $0xb8;
	[tilespmem:$0x14100] =	vst v63  }
0x3b: {  	_ = 	snop  }
0x3c: {  	[tilespmem:s19], [sflag:$0x1] =	stream.indirect_vreg.gather [hbm4b:s6+s3], $0x80, v4, vm0, $0xb8;
	[tilespmem:$0x14100] =	vst v63  }
0x3d: {  	_ = 	snop  }
0x3e: {  	[tilespmem:s20], [sflag:$0x1] =	stream.indirect_vreg.gather [hbm4b:s1+s3], $0x80, v3, vm0, $0xb8;
	[tilespmem:$0x14100] =	vst v63  }
0x3f: {  	_ = 	snop  }
0x40: {  	[tilespmem:s21], [sflag:$0x1] =	stream.indirect_vreg.gather [hbm4b:s4+s3], $0x80, v3, vm0, $0xb8;
	[tilespmem:$0x14100] =	vst v63  }
0x41: {  	_ = 	snop  }
0x42: {  	[tilespmem:s22], [sflag:$0x1] =	stream.indirect_vreg.gather [hbm4b:s5+s3], $0x80, v3, vm0, $0xb8;
	[tilespmem:$0x14100] =	vst v63  }
0x43: {  	_ = 	snop  }
0x44: {  	[tilespmem:s23], [sflag:$0x1] =	stream.indirect_vreg.gather [hbm4b:s6+s3], $0x80, v3, vm0, $0xb8;
	[tilespmem:$0x14100] =	vst v63  }
0x45: {  	v3 =	vld.msk [tilespmem:$0x20], $0xff;
	_ =	sdelay $0x4  }
0x46: {  	v54 =	vshll.u32 v3, $0x3  }
0x47: {  	v3 =	vand.u32 $0x7, v3;
	v4 =	vand.u32 $0xFFFFFFC0, v54  }
0x48: {  	v3 =	vor.u32 v3, v4  }
0x49: {  	v3 =	vperm.xlane v3, v0;
	_ =	sdelay $0x1  }
0x4a: {  	v3 =	vadd.s32 v1, v3;
	_ =	sdelay $0x4  }
0x4b: {  	[tilespmem:s24], [sflag:$0x1] =	stream.indirect_vreg.gather [hbm4b:s1+s3], $0x80, v3, vm0, $0xb8;
	[tilespmem:$0x14100] =	vst v63  }
0x4c: {  	_ = 	snop  }
0x4d: {  	[tilespmem:s25], [sflag:$0x1] =	stream.indirect_vreg.gather [hbm4b:s4+s3], $0x80, v3, vm0, $0xb8;
	[tilespmem:$0x14100] =	vst v63  }
0x4e: {  	s2 =	simm.s32 $0x9100  }
0x4f: {  	[tilespmem:s2], [sflag:$0x1] =	stream.indirect_vreg.gather [hbm4b:s5+s3], $0x80, v3, vm0, $0xb8;
	[tilespmem:$0x14100] =	vst v63  }
0x50: {  	_ = 	snop  }
0x51: {  	[tilespmem:s9], [sflag:$0x1] =	stream.indirect_vreg.gather [hbm4b:s6+s3], $0x80, v3, vm0, $0xb8;
	[tilespmem:$0x14100] =	vst v63  }
0x52: {  	v3 =	vld [tilespmem:$0x28];
	_ =	sdelay $0x4  }
0x53: {  	v55 =	vshll.u32 v3, $0x3  }
0x54: {  	v3 =	vand.u32 $0x7, v3;
	v4 =	vand.u32 $0xFFFFFFC0, v55  }
0x55: {  	v3 =	vor.u32 v3, v4  }
0x56: {  	v4 =	vperm.xlane v3, v0;
	_ =	sdelay $0x1  }
0x57: {  	v4 =	vadd.s32 v1, v4;
	_ =	sdelay $0x3  }
0x58: {  	s0 =	simm.s32 $0xA100  }
0x59: {  	[tilespmem:s0], [sflag:$0x2] =	stream.indirect_vreg.gather [hbm4b:s1+s3], $0x80, v4, vm0, $0xb8;
	[tilespmem:$0x14100] =	vst v63  }
0x5a: {  	s26 =	simm.s32 $0xA900;
	v3 =	vperm.xlane v3, v2  }
0x5b: {  	[tilespmem:s26], [sflag:$0x2] =	stream.indirect_vreg.gather [hbm4b:s4+s3], $0x80, v4, vm0, $0xb8;
	[tilespmem:$0x14100] =	vst v63  }
0x5c: {  	v3 =	vadd.s32 v1, v3;
	s26 =	simm.s32 $0xB100  }
0x5d: {  	[tilespmem:s26], [sflag:$0x2] =	stream.indirect_vreg.gather [hbm4b:s5+s3], $0x80, v4, vm0, $0xb8;
	[tilespmem:$0x14100] =	vst v63  }
0x5e: {  	s26 =	simm.s32 $0xB900  }
0x5f: {  	[tilespmem:s26], [sflag:$0x2] =	stream.indirect_vreg.gather [hbm4b:s6+s3], $0x80, v4, vm0, $0xb8;
	[tilespmem:$0x14100] =	vst v63  }
0x60: {  	s26 =	simm.s32 $0xC100  }
0x61: {  	[tilespmem:s26], [sflag:$0x2] =	stream.indirect_vreg.gather [hbm4b:s1+s3], $0x80, v3, vm0, $0xb8;
	[tilespmem:$0x14100] =	vst v63  }
0x62: {  	s26 =	simm.s32 $0xC900  }
0x63: {  	[tilespmem:s26], [sflag:$0x2] =	stream.indirect_vreg.gather [hbm4b:s4+s3], $0x80, v3, vm0, $0xb8;
	[tilespmem:$0x14100] =	vst v63  }
0x64: {  	s26 =	simm.s32 $0xD100  }
0x65: {  	[tilespmem:s26], [sflag:$0x2] =	stream.indirect_vreg.gather [hbm4b:s5+s3], $0x80, v3, vm0, $0xb8;
	[tilespmem:$0x14100] =	vst v63  }
0x66: {  	s26 =	simm.s32 $0xD900  }
0x67: {  	[tilespmem:s26], [sflag:$0x2] =	stream.indirect_vreg.gather [hbm4b:s6+s3], $0x80, v3, vm0, $0xb8;
	[tilespmem:$0x14100] =	vst v63  }
0x68: {  	v3 =	vld [tilespmem:$0x38];
	_ =	sdelay $0x4  }
0x69: {  	v56 =	vshll.u32 v3, $0x3  }
0x6a: {  	v3 =	vand.u32 $0x7, v3;
	v4 =	vand.u32 $0xFFFFFFC0, v56  }
0x6b: {  	v3 =	vor.u32 v3, v4  }
0x6c: {  	v4 =	vperm.xlane v3, v0;
	_ =	sdelay $0x1  }
0x6d: {  	v4 =	vadd.s32 v1, v4;
	_ =	sdelay $0x3  }
0x6e: {  	s26 =	simm.s32 $0xE100  }
0x6f: {  	[tilespmem:s26], [sflag:$0x2] =	stream.indirect_vreg.gather [hbm4b:s1+s3], $0x80, v4, vm0, $0xb8;
	[tilespmem:$0x14100] =	vst v63  }
0x70: {  	v3 =	vperm.xlane v3, v2;
	s26 =	simm.s32 $0xE900  }
0x71: {  	[tilespmem:s26], [sflag:$0x2] =	stream.indirect_vreg.gather [hbm4b:s4+s3], $0x80, v4, vm0, $0xb8;
	[tilespmem:$0x14100] =	vst v63  }
0x72: {  	v3 =	vadd.s32 v1, v3;
	s26 =	simm.s32 $0xF100  }
0x73: {  	[tilespmem:s26], [sflag:$0x2] =	stream.indirect_vreg.gather [hbm4b:s5+s3], $0x80, v4, vm0, $0xb8;
	[tilespmem:$0x14100] =	vst v63  }
0x74: {  	s26 =	simm.s32 $0xF900  }
0x75: {  	[tilespmem:s26], [sflag:$0x2] =	stream.indirect_vreg.gather [hbm4b:s6+s3], $0x80, v4, vm0, $0xb8;
	[tilespmem:$0x14100] =	vst v63  }
0x76: {  	s26 =	simm.s32 $0x10100  }
0x77: {  	[tilespmem:s26], [sflag:$0x2] =	stream.indirect_vreg.gather [hbm4b:s1+s3], $0x80, v3, vm0, $0xb8;
	[tilespmem:$0x14100] =	vst v63  }
0x78: {  	s26 =	simm.s32 $0x10900  }
0x79: {  	[tilespmem:s26], [sflag:$0x2] =	stream.indirect_vreg.gather [hbm4b:s4+s3], $0x80, v3, vm0, $0xb8;
	[tilespmem:$0x14100] =	vst v63  }
0x7a: {  	s26 =	simm.s32 $0x11100  }
0x7b: {  	[tilespmem:s26], [sflag:$0x2] =	stream.indirect_vreg.gather [hbm4b:s5+s3], $0x80, v3, vm0, $0xb8;
	[tilespmem:$0x14100] =	vst v63  }
0x7c: {  	s26 =	simm.s32 $0x11900  }
0x7d: {  	[tilespmem:s26], [sflag:$0x2] =	stream.indirect_vreg.gather [hbm4b:s6+s3], $0x80, v3, vm0, $0xb8;
	[tilespmem:$0x14100] =	vst v63  }
0x7e: {  	v3 =	vld.msk [tilespmem:$0x48], $0xff;
	_ =	sdelay $0x4  }
0x7f: {  	v57 =	vshll.u32 v3, $0x3  }
0x80: {  	v3 =	vand.u32 $0x7, v3;
	v4 =	vand.u32 $0xFFFFFFC0, v57  }
0x81: {  	v3 =	vor.u32 v3, v4  }
0x82: {  	v3 =	vperm.xlane v3, v0;
	_ =	sdelay $0x1  }
0x83: {  	v3 =	vadd.s32 v1, v3;
	_ =	sdelay $0x3  }
0x84: {  	s26 =	simm.s32 $0x12100  }
0x85: {  	[tilespmem:s26], [sflag:$0x2] =	stream.indirect_vreg.gather [hbm4b:s1+s3], $0x80, v3, vm0, $0xb8;
	[tilespmem:$0x14100] =	vst v63  }
0x86: {  	s26 =	simm.s32 $0x12900  }
0x87: {  	[tilespmem:s26], [sflag:$0x2] =	stream.indirect_vreg.gather [hbm4b:s4+s3], $0x80, v3, vm0, $0xb8;
	[tilespmem:$0x14100] =	vst v63  }
0x88: {  	s26 =	simm.s32 $0x13100  }
0x89: {  	[tilespmem:s26], [sflag:$0x2] =	stream.indirect_vreg.gather [hbm4b:s5+s3], $0x80, v3, vm0, $0xb8;
	[tilespmem:$0x14100] =	vst v63  }
0x8a: {  	s26 =	simm.s32 $0x13900  }
0x8b: {  	[tilespmem:s26], [sflag:$0x2] =	stream.indirect_vreg.gather [hbm4b:s6+s3], $0x80, v3, vm0, $0xb8;
	[tilespmem:$0x14100] =	vst v63  }
0x8c: {  	_ =	swait.ge [sflag:s8], $0xA000  }
0x8d: {  	[sflag:s8] =	ssyncset.done $0x0  }
0x8e: {  	s26 =	simm.s32 $0x100;
	s2 =	rddreg [dreg:$0x5];
	[sflag:s8] =	ssyncadd.s32 $0xFFFF6000  }
0x8f: {  	[hbm4b:s2+s3] =	stream.linear.scatter [tilespmem:s26], [sflag:$0x3], $0xA000, $0x38;
	[tilespmem:$0x14100] =	vst v63  }
0x90: {  	_ =	swait.ge [sflag:s28], $0xA000  }
0x91: {  	[sflag:s28] =	ssyncset.done $0x0  }
0x92: {  	s2 =	rddreg [dreg:$0x6];
	[sflag:s28] =	ssyncadd.s32 $0xFFFF6000  }
0x93: {  	[hbm4b:s2+s3] =	stream.linear.scatter [tilespmem:s0], [sflag:$0x4], $0xA000, $0x38;
	[tilespmem:$0x14100] =	vst v63  }
0x94: {  	_ =	swait.ge [sflag:s29], $0xA000  }
0x95: {  	[sflag:s29] =	ssyncset.done $0x0  }
0x96: {  	[sflag:s29] =	ssyncadd.s32 $0xFFFF6000  }
0x97: {  	v3 =	vld [tilespmem:$0x50];
	_ =	sdelay $0x4  }
0x98: {  	v58 =	vshll.u32 v3, $0x3  }
0x99: {  	v3 =	vand.u32 $0x7, v3;
	v4 =	vand.u32 $0xFFFFFFC0, v58  }
0x9a: {  	v3 =	vor.u32 v3, v4  }
0x9b: {  	v4 =	vperm.xlane v3, v0;
	_ =	sdelay $0x1  }
0x9c: {  	v4 =	vadd.s32 v1, v4;
	_ =	sdelay $0x4  }
0x9d: {  	[tilespmem:s26], [sflag:$0x1] =	stream.indirect_vreg.gather [hbm4b:s1+s3], $0x80, v4, vm0, $0xb8;
	[tilespmem:$0x14100] =	vst v63  }
0x9e: {  	v3 =	vperm.xlane v3, v2  }
0x9f: {  	[tilespmem:s30], [sflag:$0x1] =	stream.indirect_vreg.gather [hbm4b:s4+s3], $0x80, v4, vm0, $0xb8;
	[tilespmem:$0x14100] =	vst v63  }
0xa0: {  	v3 =	vadd.s32 v1, v3  }
0xa1: {  	[tilespmem:s10], [sflag:$0x1] =	stream.indirect_vreg.gather [hbm4b:s5+s3], $0x80, v4, vm0, $0xb8;
	[tilespmem:$0x14100] =	vst v63  }
0xa2: {  	_ = 	snop  }
0xa3: {  	[tilespmem:s11], [sflag:$0x1] =	stream.indirect_vreg.gather [hbm4b:s6+s3], $0x80, v4, vm0, $0xb8;
	[tilespmem:$0x14100] =	vst v63  }
0xa4: {  	_ = 	snop  }
0xa5: {  	[tilespmem:s12], [sflag:$0x1] =	stream.indirect_vreg.gather [hbm4b:s1+s3], $0x80, v3, vm0, $0xb8;
	[tilespmem:$0x14100] =	vst v63  }
0xa6: {  	_ = 	snop  }
0xa7: {  	[tilespmem:s13], [sflag:$0x1] =	stream.indirect_vreg.gather [hbm4b:s4+s3], $0x80, v3, vm0, $0xb8;
	[tilespmem:$0x14100] =	vst v63  }
0xa8: {  	_ = 	snop  }
0xa9: {  	[tilespmem:s14], [sflag:$0x1] =	stream.indirect_vreg.gather [hbm4b:s5+s3], $0x80, v3, vm0, $0xb8;
	[tilespmem:$0x14100] =	vst v63  }
0xaa: {  	_ = 	snop  }
0xab: {  	[tilespmem:s15], [sflag:$0x1] =	stream.indirect_vreg.gather [hbm4b:s6+s3], $0x80, v3, vm0, $0xb8;
	[tilespmem:$0x14100] =	vst v63  }
0xac: {  	v3 =	vld [tilespmem:$0x60];
	_ =	sdelay $0x4  }
0xad: {  	v59 =	vshll.u32 v3, $0x3  }
0xae: {  	v3 =	vand.u32 $0x7, v3;
	v4 =	vand.u32 $0xFFFFFFC0, v59  }
0xaf: {  	v3 =	vor.u32 v3, v4  }
0xb0: {  	v4 =	vperm.xlane v3, v0;
	_ =	sdelay $0x1  }
0xb1: {  	v4 =	vadd.s32 v1, v4;
	_ =	sdelay $0x4  }
0xb2: {  	[tilespmem:s16], [sflag:$0x1] =	stream.indirect_vreg.gather [hbm4b:s1+s3], $0x80, v4, vm0, $0xb8;
	[tilespmem:$0x14100] =	vst v63  }
0xb3: {  	v3 =	vperm.xlane v3, v2  }
0xb4: {  	[tilespmem:s17], [sflag:$0x1] =	stream.indirect_vreg.gather [hbm4b:s4+s3], $0x80, v4, vm0, $0xb8;
	[tilespmem:$0x14100] =	vst v63  }
0xb5: {  	v3 =	vadd.s32 v1, v3  }
0xb6: {  	[tilespmem:s18], [sflag:$0x1] =	stream.indirect_vreg.gather [hbm4b:s5+s3], $0x80, v4, vm0, $0xb8;
	[tilespmem:$0x14100] =	vst v63  }
0xb7: {  	_ = 	snop  }
0xb8: {  	[tilespmem:s19], [sflag:$0x1] =	stream.indirect_vreg.gather [hbm4b:s6+s3], $0x80, v4, vm0, $0xb8;
	[tilespmem:$0x14100] =	vst v63  }
0xb9: {  	_ = 	snop  }
0xba: {  	[tilespmem:s20], [sflag:$0x1] =	stream.indirect_vreg.gather [hbm4b:s1+s3], $0x80, v3, vm0, $0xb8;
	[tilespmem:$0x14100] =	vst v63  }
0xbb: {  	_ = 	snop  }
0xbc: {  	[tilespmem:s21], [sflag:$0x1] =	stream.indirect_vreg.gather [hbm4b:s4+s3], $0x80, v3, vm0, $0xb8;
	[tilespmem:$0x14100] =	vst v63  }
0xbd: {  	_ = 	snop  }
0xbe: {  	[tilespmem:s22], [sflag:$0x1] =	stream.indirect_vreg.gather [hbm4b:s5+s3], $0x80, v3, vm0, $0xb8;
	[tilespmem:$0x14100] =	vst v63  }
0xbf: {  	_ = 	snop  }
0xc0: {  	[tilespmem:s23], [sflag:$0x1] =	stream.indirect_vreg.gather [hbm4b:s6+s3], $0x80, v3, vm0, $0xb8;
	[tilespmem:$0x14100] =	vst v63  }
0xc1: {  	v3 =	vld.msk [tilespmem:$0x70], $0xff;
	_ =	sdelay $0x4  }
0xc2: {  	v60 =	vshll.u32 v3, $0x3  }
0xc3: {  	v3 =	vand.u32 $0x7, v3;
	v4 =	vand.u32 $0xFFFFFFC0, v60  }
0xc4: {  	v3 =	vor.u32 v3, v4  }
0xc5: {  	v3 =	vperm.xlane v3, v0;
	_ =	sdelay $0x1  }
0xc6: {  	v3 =	vadd.s32 v1, v3;
	_ =	sdelay $0x4  }
0xc7: {  	[tilespmem:s24], [sflag:$0x1] =	stream.indirect_vreg.gather [hbm4b:s1+s3], $0x80, v3, vm0, $0xb8;
	[tilespmem:$0x14100] =	vst v63  }
0xc8: {  	_ = 	snop  }
0xc9: {  	[tilespmem:s25], [sflag:$0x1] =	stream.indirect_vreg.gather [hbm4b:s4+s3], $0x80, v3, vm0, $0xb8;
	[tilespmem:$0x14100] =	vst v63  }
0xca: {  	s2 =	simm.s32 $0x9100  }
0xcb: {  	[tilespmem:s2], [sflag:$0x1] =	stream.indirect_vreg.gather [hbm4b:s5+s3], $0x80, v3, vm0, $0xb8;
	[tilespmem:$0x14100] =	vst v63  }
0xcc: {  	_ = 	snop  }
0xcd: {  	[tilespmem:s9], [sflag:$0x1] =	stream.indirect_vreg.gather [hbm4b:s6+s3], $0x80, v3, vm0, $0xb8;
	[tilespmem:$0x14100] =	vst v63  }
0xce: {  	_ =	swait.ge [sflag:s31], $0xA000  }
0xcf: {  	[sflag:s31] =	ssyncset.done $0x0  }
0xd0: {  	[sflag:s31] =	ssyncadd.s32 $0xFFFF6000  }
0xd1: {  	v3 =	vld [tilespmem:$0x78];
	_ =	sdelay $0x4  }
0xd2: {  	v61 =	vshll.u32 v3, $0x3  }
0xd3: {  	v3 =	vand.u32 $0x7, v3;
	v4 =	vand.u32 $0xFFFFFFC0, v61  }
0xd4: {  	v3 =	vor.u32 v3, v4  }
0xd5: {  	v4 =	vperm.xlane v3, v0;
	_ =	sdelay $0x1  }
0xd6: {  	v4 =	vadd.s32 v1, v4;
	_ =	sdelay $0x4  }
0xd7: {  	[tilespmem:s0], [sflag:$0x2] =	stream.indirect_vreg.gather [hbm4b:s1+s3], $0x80, v4, vm0, $0xb8;
	[tilespmem:$0x14100] =	vst v63  }
0xd8: {  	s2 =	simm.s32 $0xA900;
	v3 =	vperm.xlane v3, v2  }
0xd9: {  	[tilespmem:s2], [sflag:$0x2] =	stream.indirect_vreg.gather [hbm4b:s4+s3], $0x80, v4, vm0, $0xb8;
	[tilespmem:$0x14100] =	vst v63  }
0xda: {  	v3 =	vadd.s32 v1, v3;
	s2 =	simm.s32 $0xB100  }
0xdb: {  	[tilespmem:s2], [sflag:$0x2] =	stream.indirect_vreg.gather [hbm4b:s5+s3], $0x80, v4, vm0, $0xb8;
	[tilespmem:$0x14100] =	vst v63  }
0xdc: {  	s2 =	simm.s32 $0xB900  }
0xdd: {  	[tilespmem:s2], [sflag:$0x2] =	stream.indirect_vreg.gather [hbm4b:s6+s3], $0x80, v4, vm0, $0xb8;
	[tilespmem:$0x14100] =	vst v63  }
0xde: {  	s2 =	simm.s32 $0xC100  }
0xdf: {  	[tilespmem:s2], [sflag:$0x2] =	stream.indirect_vreg.gather [hbm4b:s1+s3], $0x80, v3, vm0, $0xb8;
	[tilespmem:$0x14100] =	vst v63  }
0xe0: {  	s2 =	simm.s32 $0xC900  }
0xe1: {  	[tilespmem:s2], [sflag:$0x2] =	stream.indirect_vreg.gather [hbm4b:s4+s3], $0x80, v3, vm0, $0xb8;
	[tilespmem:$0x14100] =	vst v63  }
0xe2: {  	s2 =	simm.s32 $0xD100  }
0xe3: {  	[tilespmem:s2], [sflag:$0x2] =	stream.indirect_vreg.gather [hbm4b:s5+s3], $0x80, v3, vm0, $0xb8;
	[tilespmem:$0x14100] =	vst v63  }
0xe4: {  	s2 =	simm.s32 $0xD900  }
0xe5: {  	[tilespmem:s2], [sflag:$0x2] =	stream.indirect_vreg.gather [hbm4b:s6+s3], $0x80, v3, vm0, $0xb8;
	[tilespmem:$0x14100] =	vst v63  }
0xe6: {  	v3 =	vld [tilespmem:$0x88];
	_ =	sdelay $0x4  }
0xe7: {  	v62 =	vshll.u32 v3, $0x3  }
0xe8: {  	v3 =	vand.u32 $0x7, v3;
	v4 =	vand.u32 $0xFFFFFFC0, v62  }
0xe9: {  	v3 =	vor.u32 v3, v4  }
0xea: {  	v4 =	vperm.xlane v3, v0;
	_ =	sdelay $0x1  }
0xeb: {  	v4 =	vadd.s32 v1, v4;
	_ =	sdelay $0x3  }
0xec: {  	s2 =	simm.s32 $0xE100  }
0xed: {  	[tilespmem:s2], [sflag:$0x2] =	stream.indirect_vreg.gather [hbm4b:s1+s3], $0x80, v4, vm0, $0xb8;
	[tilespmem:$0x14100] =	vst v63  }
0xee: {  	v3 =	vperm.xlane v3, v2;
	s2 =	simm.s32 $0xE900  }
0xef: {  	[tilespmem:s2], [sflag:$0x2] =	stream.indirect_vreg.gather [hbm4b:s4+s3], $0x80, v4, vm0, $0xb8;
	[tilespmem:$0x14100] =	vst v63  }
0xf0: {  	v3 =	vadd.s32 v1, v3;
	s2 =	simm.s32 $0xF100  }
0xf1: {  	[tilespmem:s2], [sflag:$0x2] =	stream.indirect_vreg.gather [hbm4b:s5+s3], $0x80, v4, vm0, $0xb8;
	[tilespmem:$0x14100] =	vst v63  }
0xf2: {  	s2 =	simm.s32 $0xF900  }
0xf3: {  	[tilespmem:s2], [sflag:$0x2] =	stream.indirect_vreg.gather [hbm4b:s6+s3], $0x80, v4, vm0, $0xb8;
	[tilespmem:$0x14100] =	vst v63  }
0xf4: {  	s2 =	simm.s32 $0x10100  }
0xf5: {  	[tilespmem:s2], [sflag:$0x2] =	stream.indirect_vreg.gather [hbm4b:s1+s3], $0x80, v3, vm0, $0xb8;
	[tilespmem:$0x14100] =	vst v63  }
0xf6: {  	s2 =	simm.s32 $0x10900  }
0xf7: {  	[tilespmem:s2], [sflag:$0x2] =	stream.indirect_vreg.gather [hbm4b:s4+s3], $0x80, v3, vm0, $0xb8;
	[tilespmem:$0x14100] =	vst v63  }
0xf8: {  	s2 =	simm.s32 $0x11100  }
0xf9: {  	[tilespmem:s2], [sflag:$0x2] =	stream.indirect_vreg.gather [hbm4b:s5+s3], $0x80, v3, vm0, $0xb8;
	[tilespmem:$0x14100] =	vst v63  }
0xfa: {  	s2 =	simm.s32 $0x11900  }
0xfb: {  	[tilespmem:s2], [sflag:$0x2] =	stream.indirect_vreg.gather [hbm4b:s6+s3], $0x80, v3, vm0, $0xb8;
	[tilespmem:$0x14100] =	vst v63  }
0xfc: {  	v3 =	vld.msk [tilespmem:$0x98], $0xff;
	_ =	sdelay $0x4  }
0xfd: {  	v63 =	vshll.u32 v3, $0x3  }
0xfe: {  	v3 =	vand.u32 $0x7, v3;
	v4 =	vand.u32 $0xFFFFFFC0, v63  }
0xff: {  	v3 =	vor.u32 v3, v4  }
0x100: {  	v3 =	vperm.xlane v3, v0;
	_ =	sdelay $0x1  }
0x101: {  	v3 =	vadd.s32 v1, v3;
	_ =	sdelay $0x3  }
0x102: {  	s2 =	simm.s32 $0x12100  }
0x103: {  	[tilespmem:s2], [sflag:$0x2] =	stream.indirect_vreg.gather [hbm4b:s1+s3], $0x80, v3, vm0, $0xb8;
	[tilespmem:$0x14100] =	vst v63  }
0x104: {  	s2 =	simm.s32 $0x12900  }
0x105: {  	[tilespmem:s2], [sflag:$0x2] =	stream.indirect_vreg.gather [hbm4b:s4+s3], $0x80, v3, vm0, $0xb8;
	[tilespmem:$0x14100] =	vst v63  }
0x106: {  	s2 =	simm.s32 $0x13100  }
0x107: {  	[tilespmem:s2], [sflag:$0x2] =	stream.indirect_vreg.gather [hbm4b:s5+s3], $0x80, v3, vm0, $0xb8;
	[tilespmem:$0x14100] =	vst v63  }
0x108: {  	s2 =	simm.s32 $0x13900  }
0x109: {  	[tilespmem:s2], [sflag:$0x2] =	stream.indirect_vreg.gather [hbm4b:s6+s3], $0x80, v3, vm0, $0xb8;
	[tilespmem:$0x14100] =	vst v63  }
0x10a: {  	_ =	swait.ge [sflag:s8], $0xA000  }
0x10b: {  	[sflag:s8] =	ssyncset.done $0x0  }
0x10c: {  	s26 =	simm.s32 $0x100;
	s2 =	rddreg [dreg:$0x7];
	[sflag:s8] =	ssyncadd.s32 $0xFFFF6000  }
0x10d: {  	[hbm4b:s2+s3] =	stream.linear.scatter [tilespmem:s26], [sflag:$0x3], $0xA000, $0x38;
	[tilespmem:$0x14100] =	vst v63  }
0x10e: {  	_ =	swait.ge [sflag:s28], $0xA000  }
0x10f: {  	[sflag:s28] =	ssyncset.done $0x0  }
0x110: {  	s26 =	rddreg [dreg:$0x8];
	[sflag:s28] =	ssyncadd.s32 $0xFFFF6000  }
0x111: {  	[hbm4b:s26+s3] =	stream.linear.scatter [tilespmem:s0], [sflag:$0x4], $0xA000, $0x38;
	[tilespmem:$0x14100] =	vst v63  }
0x112: {  	p0 =	sne.s32 s7, $0x1;
	_ =	swait.ge [sflag:s29], $0xA000  }
.Ltmp0:
0x113: {  	[sflag:s29] =	ssyncset.done $0x0;
	(pc) =	sbr.rel @p0 .LBB2_1-.Ltmp0, $4  }
0x114: {  	[sflag:s29] =	ssyncadd.s32 $0xFFFF6000  }
0x115: {  	_ =	swait.ge [sflag:s31], $0xA000  }
0x116: {  	[sflag:s31] =	ssyncset.done $0x0  }
0x117: {  	s7 =	sadd.s32 $0xFFFFFFFF, s7;
	[sflag:s31] =	ssyncadd.s32 $0xFFFF6000  }
0x118: {  	_ =	sfence.sel $0x180000  }
0x119: {  	[bflag:$0x0] =	sbarrier.arrive $0xFFFF  }
0x11a: {  	_ =	strace $0x9000004A  }
0x11b: {  	s0 =	stileid.u32;
	[bflag:$0x2] =	sbarrier.arrive $0xFFFF  }
0x11c: {  	p0 =	sne.s32 s0, $0x0;
	s0 =	rddreg [dreg:$0x3]  }
0x11d: {  	s0 =	sadd.s32 @!p0 $0x100000, s0  }
0x11e: {  	[sflag:s0] =	ssyncadd.tile.s32 @!p0 $0x1;
	_ =	shalt  }
.Lfunc_end2:
_tile_overlayer_lowered:
.L_overlay_start_2:
0x11f: {  	(tag) =	ssettag $0x2  }
0x120: {  	s0 =	rddreg [dreg:$0x0];
	s2 =	stileid.u32  }
0x121: {  	s1 =	rddreg [dreg:$0x1];
	p0 =	sne.s32 s2, $0x0  }
0x122: {  	s3 =	rddreg [dreg:$0x2];
	[bflag:$0x3] =	sbarrier.arrive $0xFFFF;
	s2 =	simm.s32 @!p0 $0x1C05  }
0x123: {  	[timem:s3], [sflag:s2] =	dma.local @!p0 [hbm:s0], s1  }
0x124: {  	s0 =	simm.s32 @!p0 $0x5  }
0x125: {  	_ =	swait.ge @!p0 [sflag:s0], s1  }
0x126: {  	s1 =	ssub.s32 @!p0 $0x0, s1;
	[sflag:s0] =	ssyncset.done @!p0 $0x0  }
0x127: {  	[sflag:s0] =	ssyncadd.s32 @!p0 s1  }
0x128: {  	[bflag:$0x3] =	sbarrier.arrive $0xFFFF  }
0x129: {  	_ =	shalt  }

</sc_bundles>
